<compile_context>
chip_gen: v7x
topology: tpu7x:2x2x1
jax: 0.10.2.dev20260603
libtpu: 0.0.44.dev20260713+nightly
codegen_flags: <defaults>
</compile_context>

<pallas_src>
import jax
import jax.numpy as jnp
from jax import lax
from jax.experimental import pallas as pl
from jax.experimental.pallas import tpu as pltpu
from jax.experimental.pallas import tpu_sc as plsc

E = 320000
N = 10000
N_PAD = 10240
D = 128

NC = 2
NS = 16
NW = NC * NS
EPW = E // NW
CHUNK = 128
NFULL = EPW // CHUNK
REM = EPW - NFULL * CHUNK
NBLK = N_PAD // CHUNK
BPT = NBLK // NS
NPT = N_PAD // NS


def _sc_body(from_hbm, idxm_hbm, idxr_hbm, zacc_hbm, z640_hbm, ones_hbm,
             sums_hbm, cnts_hbm,
             acc, cnt, rows2, idx_all, rows16, idx16,
             ones_v, ones16_v, c640_v, rsem, ssem, csem):
    cid = lax.axis_index("c")
    sid = lax.axis_index("s")
    wid = sid * NC + cid
    ebase = wid * EPW

    pltpu.sync_copy(z640_hbm, c640_v)
    pltpu.sync_copy(ones_hbm, ones_v)
    pltpu.sync_copy(ones_hbm.at[pl.ds(0, REM)], ones16_v)
    pltpu.sync_copy(idxm_hbm.at[wid], idx_all)
    pltpu.sync_copy(idxr_hbm.at[wid], idx16)

    def zstep(t, carry):
        r0 = pl.multiple_of((sid + t * NS) * CHUNK, CHUNK)
        pltpu.sync_copy(zacc_hbm.at[pl.ds(r0, CHUNK)], acc.at[pl.ds(r0, CHUNK)])
        return carry

    lax.fori_loop(0, BPT, zstep, 0)
    pltpu.sync_copy(c640_v, cnt.at[pl.ds(sid * NPT, NPT)])
    plsc.subcore_barrier()

    pltpu.async_copy(from_hbm.at[pl.ds(ebase, CHUNK)], rows2.at[0], rsem.at[0])
    pltpu.async_copy(from_hbm.at[pl.ds(ebase + CHUNK, CHUNK)], rows2.at[1],
                     rsem.at[1])
    pltpu.make_async_copy(from_hbm.at[pl.ds(ebase, CHUNK)], rows2.at[0],
                          rsem.at[0]).wait()
    pltpu.async_copy(rows2.at[0], acc.at[idx_all.at[0]], ssem.at[0], add=True)
    pltpu.async_copy(ones_v, cnt.at[idx_all.at[0]], csem, add=True)

    def step(j, carry):
        s = lax.rem(j, 2)
        ns = lax.rem(j + 1, 2)
        base = ebase + j * CHUNK
        pltpu.make_async_copy(rows2.at[ns], acc.at[idx_all.at[0]],
                              ssem.at[ns]).wait()
        pltpu.async_copy(from_hbm.at[pl.ds(base + CHUNK, CHUNK)],
                         rows2.at[ns], rsem.at[ns])
        pltpu.make_async_copy(from_hbm.at[pl.ds(base, CHUNK)], rows2.at[s],
                              rsem.at[s]).wait()
        pltpu.async_copy(rows2.at[s], acc.at[idx_all.at[j]], ssem.at[s],
                         add=True)
        pltpu.async_copy(ones_v, cnt.at[idx_all.at[j]], csem, add=True)
        return carry

    lax.fori_loop(1, NFULL - 1, step, 0)

    ps = (NFULL - 2) % 2
    ls = (NFULL - 1) % 2
    pltpu.make_async_copy(rows2.at[ps], acc.at[idx_all.at[0]],
                          ssem.at[ps]).wait()
    lbase = ebase + (NFULL - 1) * CHUNK
    pltpu.make_async_copy(from_hbm.at[pl.ds(lbase, CHUNK)], rows2.at[ls],
                          rsem.at[ls]).wait()
    pltpu.sync_copy(rows2.at[ls], acc.at[idx_all.at[NFULL - 1]], add=True)
    pltpu.async_copy(ones_v, cnt.at[idx_all.at[NFULL - 1]], csem, add=True)

    rbase = ebase + NFULL * CHUNK
    pltpu.sync_copy(from_hbm.at[pl.ds(rbase, REM)], rows16)
    pltpu.sync_copy(rows16, acc.at[idx16.at[0]], add=True)
    pltpu.sync_copy(ones16_v, cnt.at[idx16.at[0]], add=True)

    def cdrain(j, carry):
        pltpu.make_async_copy(ones_v, cnt.at[idx_all.at[0]], csem).wait()
        return carry

    lax.fori_loop(0, NFULL, cdrain, 0)
    plsc.subcore_barrier()

    def dstep(t, carry):
        r0 = pl.multiple_of((sid + t * NS) * CHUNK, CHUNK)
        pltpu.sync_copy(acc.at[pl.ds(r0, CHUNK)],
                        sums_hbm.at[cid, pl.ds(r0, CHUNK)])
        return carry

    lax.fori_loop(0, BPT, dstep, 0)
    pltpu.sync_copy(cnt.at[pl.ds(sid * NPT, NPT)], c640_v)
    pltpu.sync_copy(c640_v, cnts_hbm.at[pl.ds(cid * N_PAD + sid * NPT, NPT)])


_sc_scatter = pl.kernel(
    _sc_body,
    out_type=(
        jax.ShapeDtypeStruct((NC, N_PAD, D), jnp.float32),
        jax.ShapeDtypeStruct((NC * N_PAD,), jnp.float32),
    ),
    mesh=plsc.VectorSubcoreMesh(
        core_axis_name="c", subcore_axis_name="s",
        num_cores=NC, num_subcores=NS,
    ),
    scratch_types=[
        pltpu.VMEM_SHARED((N_PAD, D), jnp.float32),
        pltpu.VMEM_SHARED((N_PAD,), jnp.float32),
        pltpu.VMEM((2, CHUNK, D), jnp.float32),
        pltpu.VMEM((NFULL, CHUNK), jnp.int32),
        pltpu.VMEM((REM, D), jnp.float32),
        pltpu.VMEM((1, REM), jnp.int32),
        pltpu.VMEM((CHUNK,), jnp.float32),
        pltpu.VMEM((REM,), jnp.float32),
        pltpu.VMEM((NPT,), jnp.float32),
        pltpu.SemaphoreType.DMA((2,)),
        pltpu.SemaphoreType.DMA((2,)),
        pltpu.SemaphoreType.DMA,
    ],
)


BN = 2048
CPB = BN // 128


def _tc_body(s_ref, c_ref, w_ref, b_ref, o_ref):
    s = s_ref[0] + s_ref[1]
    cr = c_ref[0] + c_ref[1]
    rdiv = lax.broadcasted_iota(jnp.int32, (BN, CPB), 0) // 128
    kcol = lax.broadcasted_iota(jnp.int32, (BN, CPB), 1)
    sel = jnp.where(rdiv == kcol, 1.0, 0.0).astype(jnp.float32)
    m = lax.dot_general(sel, cr, (((1,), (0,)), ((), ())),
                        preferred_element_type=jnp.float32)
    rmod = lax.broadcasted_iota(jnp.int32, (BN, D), 0) % 128
    lane = lax.broadcasted_iota(jnp.int32, (BN, D), 1)
    ct = jnp.sum(jnp.where(lane == rmod, m, 0.0), axis=1,
                 keepdims=True)
    mean = s / jnp.maximum(ct, 1.0)
    y = lax.dot_general(mean, w_ref[...], (((1,), (1,)), ((), ())),
                        preferred_element_type=jnp.float32)
    o_ref[...] = jnp.maximum(y + b_ref[...], 0.0)


def _tc_finish(sums, cnts, W, b2):
    cnts3 = cnts.reshape(NC, N_PAD // 128, 128)
    return pl.pallas_call(
        _tc_body,
        grid=(pl.cdiv(N, BN),),
        in_specs=[
            pl.BlockSpec((NC, BN, D), lambda i: (0, i, 0)),
            pl.BlockSpec((NC, CPB, 128), lambda i: (0, i, 0)),
            pl.BlockSpec((D, D), lambda i: (0, 0)),
            pl.BlockSpec((1, D), lambda i: (0, 0)),
        ],
        out_specs=pl.BlockSpec((BN, D), lambda i: (i, 0)),
        out_shape=jax.ShapeDtypeStruct((N, D), jnp.float32),
    )(sums, cnts3, W, b2)


@jax.jit
def _run(from_tensor, to_index, W, b):
    idx = to_index.astype(jnp.int32)
    idx2d = idx.reshape(NW, EPW)
    idxm = idx2d[:, :NFULL * CHUNK].reshape(NW, NFULL, CHUNK)
    idxr = idx2d[:, NFULL * CHUNK:].reshape(NW, 1, REM)
    zacc = jnp.zeros((N_PAD, D), jnp.float32)
    z640 = jnp.zeros((NPT,), jnp.float32)
    ones = jnp.ones((CHUNK,), jnp.float32)
    sums, cnts = _sc_scatter(from_tensor, idxm, idxr, zacc, z640, ones)
    return _tc_finish(sums, cnts, W, b.reshape(1, D))


def kernel(from_tensor, to_index, dim_size, W, b):
    del dim_size
    return _run(from_tensor, to_index, W, b)

# --- scband reference (transcript-rebuilt; emitter-appended) ---
"""Pipeline reference for scband-inter-message-68049461838554 (READ-ONLY COPY).

The authoritative reference and input builder live on the scoring server;
editing this copy changes nothing except your own understanding.
"""

import jax, jax.numpy as jnp
import numpy as np

E = 320000
N = 10000
D = 128

def setup_inputs(seed: int = 0) -> dict:
    key = jax.random.key(seed)
    k1, k2, k3, k4 = jax.random.split(key, 4)
    from_tensor = jax.random.normal(k1, (E, D), dtype=jnp.float32)
    to_index = jax.random.randint(k2, (E,), 0, N)
    W = jax.random.normal(k3, (D, D), dtype=jnp.float32) * (1.0 / np.sqrt(D))
    b = jax.random.normal(k4, (D,), dtype=jnp.float32) * 0.01
    return {"from_tensor": from_tensor, "to_index": to_index, "dim_size": N, "W": W, "b": b}

def reference(from_tensor, to_index, dim_size, W, b):
    # scatter-mean of edge messages into dst nodes (transform_scatter=False, reduction='mean')
    num_segments = N
    summed = jax.ops.segment_sum(from_tensor, to_index, num_segments=num_segments)
    counts = jax.ops.segment_sum(jnp.ones((from_tensor.shape[0],), dtype=from_tensor.dtype), to_index, num_segments=num_segments)
    mean = summed / jnp.clip(counts, 1.0)[:, None]
    # transform = Linear(in_channels, out_channels) -> ReLU applied after scatter
    out = jnp.maximum(mean @ W.T + b, 0.0)
    out = out + 0.0 * jnp.asarray(dim_size, out.dtype)
    return out

if __name__ == "__main__":
    import jax
    _d = setup_inputs()
    print(jax.jit(kernel)(*tuple(_d.values())))

</pallas_src>

<mosaic_0001>
#map = affine_map<(d0, d1) -> (0, 0)>
#map1 = affine_map<(d0, d1) -> (0, 0, 0)>
#map2 = affine_map<(d0, d1) -> (0)>
module attributes {stable_mosaic.version = 14 : i64} {
  func.func @_sc_body(%arg0: i32, %arg1: i32, %arg2: memref<320000x128xf32, #tpu.memory_space<hbm>>, %arg3: memref<32x78x128xi32, #tpu.memory_space<hbm>>, %arg4: memref<32x1x16xi32, #tpu.memory_space<hbm>>, %arg5: memref<10240x128xf32, #tpu.memory_space<hbm>>, %arg6: memref<640xf32, #tpu.memory_space<hbm>>, %arg7: memref<128xf32, #tpu.memory_space<hbm>>, %arg8: memref<2x10240x128xf32, #tpu.memory_space<hbm>>, %arg9: memref<20480xf32, #tpu.memory_space<hbm>>, %arg10: memref<10240x128xf32, #tpu.memory_space<vmem_shared>>, %arg11: memref<10240xf32, #tpu.memory_space<vmem_shared>>, %arg12: memref<2x128x128xf32, #tpu.memory_space<vmem>>, %arg13: memref<78x128xi32, #tpu.memory_space<vmem>>, %arg14: memref<16x128xf32, #tpu.memory_space<vmem>>, %arg15: memref<1x16xi32, #tpu.memory_space<vmem>>, %arg16: memref<128xf32, #tpu.memory_space<vmem>>, %arg17: memref<16xf32, #tpu.memory_space<vmem>>, %arg18: memref<640xf32, #tpu.memory_space<vmem>>, %arg19: memref<2x!tpu.dma_semaphore, #tpu.memory_space<semaphore_mem>>, %arg20: memref<2x!tpu.dma_semaphore, #tpu.memory_space<semaphore_mem>>, %arg21: memref<!tpu.dma_semaphore, #tpu.memory_space<semaphore_mem>>) attributes {dimension_semantics = [#tpu.dimension_semantics<core_parallel>, #tpu.dimension_semantics<subcore_parallel>], iteration_bounds = array<i64: 2, 16>, scalar_prefetch = 0 : i64, scratch_operands = 12 : i64, tpu.core_type = #tpu.core_type<sc_vector_subcore>, window_params = [{transform_indices = #map}, {transform_indices = #map1}, {transform_indices = #map1}, {transform_indices = #map}, {transform_indices = #map2}, {transform_indices = #map2}, {transform_indices = #map1}, {transform_indices = #map2}]} {
    %mul3A = arith.constant 2 : i32
    %mul3A_0 = arith.muli %arg1, %mul3A : i32
    %add3A = arith.addi %mul3A_0, %arg0 : i32
    %mul3A_1 = arith.constant 10000 : i32
    %mul3A_2 = arith.muli %add3A, %mul3A_1 : i32
    "tpu.region"() ({
      %run_scoped3A_149 = tpu.sem_alloc : memref<!tpu.dma_semaphore, #tpu.memory_space<semaphore_mem>>
      tpu.enqueue_dma source(%arg6 : memref<640xf32, #tpu.memory_space<hbm>>) target(%arg18 : memref<640xf32, #tpu.memory_space<vmem>>) target_semaphore(%run_scoped3A_149 : memref<!tpu.dma_semaphore, #tpu.memory_space<semaphore_mem>>)
      tpu.wait_dma2 semaphore(%run_scoped3A_149 : memref<!tpu.dma_semaphore, #tpu.memory_space<semaphore_mem>>) src(%arg6 : memref<640xf32, #tpu.memory_space<hbm>>) dst(%arg18 : memref<640xf32, #tpu.memory_space<vmem>>)
      tpu.yield
    }) : () -> ()
    "tpu.region"() ({
      %run_scoped3A_149 = tpu.sem_alloc : memref<!tpu.dma_semaphore, #tpu.memory_space<semaphore_mem>>
      tpu.enqueue_dma source(%arg7 : memref<128xf32, #tpu.memory_space<hbm>>) target(%arg16 : memref<128xf32, #tpu.memory_space<vmem>>) target_semaphore(%run_scoped3A_149 : memref<!tpu.dma_semaphore, #tpu.memory_space<semaphore_mem>>)
      tpu.wait_dma2 semaphore(%run_scoped3A_149 : memref<!tpu.dma_semaphore, #tpu.memory_space<semaphore_mem>>) src(%arg7 : memref<128xf32, #tpu.memory_space<hbm>>) dst(%arg16 : memref<128xf32, #tpu.memory_space<vmem>>)
      tpu.yield
    }) : () -> ()
    "tpu.region"() ({
      %run_scoped3A_149 = tpu.sem_alloc : memref<!tpu.dma_semaphore, #tpu.memory_space<semaphore_mem>>
      %dma_start3A_150 = arith.constant 0 : i32
      %dma_start3A_151 = tpu.memref_slice %arg7[%dma_start3A_150] : memref<128xf32, #tpu.memory_space<hbm>> -> memref<16xf32, #tpu.memory_space<hbm>>
      %dma_start3A_152 = arith.constant 0 : i32
      %dma_start3A_153 = tpu.memref_slice %arg7[%dma_start3A_152] : memref<128xf32, #tpu.memory_space<hbm>> -> memref<16xf32, #tpu.memory_space<hbm>>
      tpu.enqueue_dma source(%dma_start3A_153 : memref<16xf32, #tpu.memory_space<hbm>>) target(%arg17 : memref<16xf32, #tpu.memory_space<vmem>>) target_semaphore(%run_scoped3A_149 : memref<!tpu.dma_semaphore, #tpu.memory_space<semaphore_mem>>)
      %dma_wait3A_154 = arith.constant 0 : i32
      %dma_wait3A_155 = tpu.memref_slice %arg7[%dma_wait3A_154] : memref<128xf32, #tpu.memory_space<hbm>> -> memref<16xf32, #tpu.memory_space<hbm>>
      %dma_wait3A_156 = arith.constant 0 : i32
      %dma_wait3A_157 = tpu.memref_slice %arg7[%dma_wait3A_156] : memref<128xf32, #tpu.memory_space<hbm>> -> memref<16xf32, #tpu.memory_space<hbm>>
      tpu.wait_dma2 semaphore(%run_scoped3A_149 : memref<!tpu.dma_semaphore, #tpu.memory_space<semaphore_mem>>) src(%dma_wait3A_157 : memref<16xf32, #tpu.memory_space<hbm>>) dst(%arg17 : memref<16xf32, #tpu.memory_space<vmem>>)
      tpu.yield
    }) : () -> ()
    "tpu.region"() ({
      %run_scoped3A_149 = tpu.sem_alloc : memref<!tpu.dma_semaphore, #tpu.memory_space<semaphore_mem>>
      %dma_start3A_150 = arith.constant 0 : i32
      %dma_start3A_151 = arith.constant 0 : i32
      %dma_start3A_152 = tpu.memref_slice %arg3[%add3A, %dma_start3A_150, %dma_start3A_151] : memref<32x78x128xi32, #tpu.memory_space<hbm>> -> memref<1x78x128xi32, #tpu.memory_space<hbm>>
      %dma_start3A_153 = tpu.memref_squeeze %dma_start3A_152 : memref<1x78x128xi32, #tpu.memory_space<hbm>> -> memref<78x128xi32, #tpu.memory_space<hbm>>
      %dma_start3A_154 = arith.constant 0 : i32
      %dma_start3A_155 = arith.constant 0 : i32
      %dma_start3A_156 = tpu.memref_slice %arg3[%add3A, %dma_start3A_154, %dma_start3A_155] : memref<32x78x128xi32, #tpu.memory_space<hbm>> -> memref<1x78x128xi32, #tpu.memory_space<hbm>>
      %dma_start3A_157 = tpu.memref_squeeze %dma_start3A_156 : memref<1x78x128xi32, #tpu.memory_space<hbm>> -> memref<78x128xi32, #tpu.memory_space<hbm>>
      tpu.enqueue_dma source(%dma_start3A_157 : memref<78x128xi32, #tpu.memory_space<hbm>>) target(%arg13 : memref<78x128xi32, #tpu.memory_space<vmem>>) target_semaphore(%run_scoped3A_149 : memref<!tpu.dma_semaphore, #tpu.memory_space<semaphore_mem>>)
      %dma_wait3A_158 = arith.constant 0 : i32
      %dma_wait3A_159 = arith.constant 0 : i32
      %dma_wait3A_160 = tpu.memref_slice %arg3[%add3A, %dma_wait3A_158, %dma_wait3A_159] : memref<32x78x128xi32, #tpu.memory_space<hbm>> -> memref<1x78x128xi32, #tpu.memory_space<hbm>>
      %dma_wait3A_161 = tpu.memref_squeeze %dma_wait3A_160 : memref<1x78x128xi32, #tpu.memory_space<hbm>> -> memref<78x128xi32, #tpu.memory_space<hbm>>
      %dma_wait3A_162 = arith.constant 0 : i32
      %dma_wait3A_163 = arith.constant 0 : i32
      %dma_wait3A_164 = tpu.memref_slice %arg3[%add3A, %dma_wait3A_162, %dma_wait3A_163] : memref<32x78x128xi32, #tpu.memory_space<hbm>> -> memref<1x78x128xi32, #tpu.memory_space<hbm>>
      %dma_wait3A_165 = tpu.memref_squeeze %dma_wait3A_164 : memref<1x78x128xi32, #tpu.memory_space<hbm>> -> memref<78x128xi32, #tpu.memory_space<hbm>>
      tpu.wait_dma2 semaphore(%run_scoped3A_149 : memref<!tpu.dma_semaphore, #tpu.memory_space<semaphore_mem>>) src(%dma_wait3A_165 : memref<78x128xi32, #tpu.memory_space<hbm>>) dst(%arg13 : memref<78x128xi32, #tpu.memory_space<vmem>>)
      tpu.yield
    }) : () -> ()
    "tpu.region"() ({
      %run_scoped3A_149 = tpu.sem_alloc : memref<!tpu.dma_semaphore, #tpu.memory_space<semaphore_mem>>
      %dma_start3A_150 = arith.constant 0 : i32
      %dma_start3A_151 = arith.constant 0 : i32
      %dma_start3A_152 = tpu.memref_slice %arg4[%add3A, %dma_start3A_150, %dma_start3A_151] : memref<32x1x16xi32, #tpu.memory_space<hbm>> -> memref<1x1x16xi32, #tpu.memory_space<hbm>>
      %dma_start3A_153 = tpu.memref_squeeze %dma_start3A_152 : memref<1x1x16xi32, #tpu.memory_space<hbm>> -> memref<1x16xi32, #tpu.memory_space<hbm>>
      %dma_start3A_154 = arith.constant 0 : i32
      %dma_start3A_155 = arith.constant 0 : i32
      %dma_start3A_156 = tpu.memref_slice %arg4[%add3A, %dma_start3A_154, %dma_start3A_155] : memref<32x1x16xi32, #tpu.memory_space<hbm>> -> memref<1x1x16xi32, #tpu.memory_space<hbm>>
      %dma_start3A_157 = tpu.memref_squeeze %dma_start3A_156 : memref<1x1x16xi32, #tpu.memory_space<hbm>> -> memref<1x16xi32, #tpu.memory_space<hbm>>
      tpu.enqueue_dma source(%dma_start3A_157 : memref<1x16xi32, #tpu.memory_space<hbm>>) target(%arg15 : memref<1x16xi32, #tpu.memory_space<vmem>>) target_semaphore(%run_scoped3A_149 : memref<!tpu.dma_semaphore, #tpu.memory_space<semaphore_mem>>)
      %dma_wait3A_158 = arith.constant 0 : i32
      %dma_wait3A_159 = arith.constant 0 : i32
      %dma_wait3A_160 = tpu.memref_slice %arg4[%add3A, %dma_wait3A_158, %dma_wait3A_159] : memref<32x1x16xi32, #tpu.memory_space<hbm>> -> memref<1x1x16xi32, #tpu.memory_space<hbm>>
      %dma_wait3A_161 = tpu.memref_squeeze %dma_wait3A_160 : memref<1x1x16xi32, #tpu.memory_space<hbm>> -> memref<1x16xi32, #tpu.memory_space<hbm>>
      %dma_wait3A_162 = arith.constant 0 : i32
      %dma_wait3A_163 = arith.constant 0 : i32
      %dma_wait3A_164 = tpu.memref_slice %arg4[%add3A, %dma_wait3A_162, %dma_wait3A_163] : memref<32x1x16xi32, #tpu.memory_space<hbm>> -> memref<1x1x16xi32, #tpu.memory_space<hbm>>
      %dma_wait3A_165 = tpu.memref_squeeze %dma_wait3A_164 : memref<1x1x16xi32, #tpu.memory_space<hbm>> -> memref<1x16xi32, #tpu.memory_space<hbm>>
      tpu.wait_dma2 semaphore(%run_scoped3A_149 : memref<!tpu.dma_semaphore, #tpu.memory_space<semaphore_mem>>) src(%dma_wait3A_165 : memref<1x16xi32, #tpu.memory_space<hbm>>) dst(%arg15 : memref<1x16xi32, #tpu.memory_space<vmem>>)
      tpu.yield
    }) : () -> ()
    %scan3A = arith.constant 0 : i32
    %scan3A_3 = arith.constant 0 : i32
    %scan3A_4 = arith.constant 5 : i32
    %scan3A_5 = arith.addi %scan3A_3, %scan3A_4 : i32
    %scan3A_6 = arith.constant 1 : i32
    scf.for %scan3A_149 = %scan3A_3 to %scan3A_5 step %scan3A_6  : i32 {
      %mul3A_150 = arith.constant 16 : i32
      %mul3A_151 = arith.muli %scan3A_149, %mul3A_150 : i32
      %add3A_152 = arith.addi %arg1, %mul3A_151 : i32
      %mul3A_153 = arith.constant 128 : i32
      %mul3A_154 = arith.muli %add3A_152, %mul3A_153 : i32
      %multiple_of3A = tpu.assume_multiple %mul3A_154, 128 : i32
      "tpu.region"() ({
        %run_scoped3A_155 = tpu.sem_alloc : memref<!tpu.dma_semaphore, #tpu.memory_space<semaphore_mem>>
        %dma_start3A_156 = arith.constant 0 : i32
        %dma_start3A_157 = tpu.memref_slice %arg10[%multiple_of3A, %dma_start3A_156] : memref<10240x128xf32, #tpu.memory_space<vmem_shared>> -> memref<128x128xf32, #tpu.memory_space<vmem_shared>>
        %dma_start3A_158 = arith.constant 0 : i32
        %dma_start3A_159 = tpu.memref_slice %arg5[%multiple_of3A, %dma_start3A_158] : memref<10240x128xf32, #tpu.memory_space<hbm>> -> memref<128x128xf32, #tpu.memory_space<hbm>>
        tpu.enqueue_dma source(%dma_start3A_159 : memref<128x128xf32, #tpu.memory_space<hbm>>) target(%dma_start3A_157 : memref<128x128xf32, #tpu.memory_space<vmem_shared>>) target_semaphore(%run_scoped3A_155 : memref<!tpu.dma_semaphore, #tpu.memory_space<semaphore_mem>>)
        %dma_wait3A_160 = arith.constant 0 : i32
        %dma_wait3A_161 = tpu.memref_slice %arg10[%multiple_of3A, %dma_wait3A_160] : memref<10240x128xf32, #tpu.memory_space<vmem_shared>> -> memref<128x128xf32, #tpu.memory_space<vmem_shared>>
        %dma_wait3A_162 = arith.constant 0 : i32
        %dma_wait3A_163 = tpu.memref_slice %arg5[%multiple_of3A, %dma_wait3A_162] : memref<10240x128xf32, #tpu.memory_space<hbm>> -> memref<128x128xf32, #tpu.memory_space<hbm>>
        tpu.wait_dma2 semaphore(%run_scoped3A_155 : memref<!tpu.dma_semaphore, #tpu.memory_space<semaphore_mem>>) src(%dma_wait3A_163 : memref<128x128xf32, #tpu.memory_space<hbm>>) dst(%dma_wait3A_161 : memref<128x128xf32, #tpu.memory_space<vmem_shared>>)
        tpu.yield
      }) : () -> ()
    }
    %scan3A_7 = arith.constant 5 : i32
    %mul3A_8 = arith.constant 640 : i32
    %mul3A_9 = arith.muli %arg1, %mul3A_8 : i32
    "tpu.region"() ({
      %run_scoped3A_149 = tpu.sem_alloc : memref<!tpu.dma_semaphore, #tpu.memory_space<semaphore_mem>>
      %dma_start3A_150 = tpu.memref_slice %arg11[%mul3A_9] : memref<10240xf32, #tpu.memory_space<vmem_shared>> -> memref<640xf32, #tpu.memory_space<vmem_shared>>
      %dma_start3A_151 = tpu.memref_slice %arg11[%mul3A_9] : memref<10240xf32, #tpu.memory_space<vmem_shared>> -> memref<640xf32, #tpu.memory_space<vmem_shared>>
      tpu.enqueue_dma source(%arg18 : memref<640xf32, #tpu.memory_space<vmem>>) target(%dma_start3A_151 : memref<640xf32, #tpu.memory_space<vmem_shared>>) target_semaphore(%run_scoped3A_149 : memref<!tpu.dma_semaphore, #tpu.memory_space<semaphore_mem>>)
      %dma_wait3A_152 = tpu.memref_slice %arg11[%mul3A_9] : memref<10240xf32, #tpu.memory_space<vmem_shared>> -> memref<640xf32, #tpu.memory_space<vmem_shared>>
      %dma_wait3A_153 = tpu.memref_slice %arg11[%mul3A_9] : memref<10240xf32, #tpu.memory_space<vmem_shared>> -> memref<640xf32, #tpu.memory_space<vmem_shared>>
      tpu.wait_dma2 semaphore(%run_scoped3A_149 : memref<!tpu.dma_semaphore, #tpu.memory_space<semaphore_mem>>) src(%arg18 : memref<640xf32, #tpu.memory_space<vmem>>) dst(%dma_wait3A_153 : memref<640xf32, #tpu.memory_space<vmem_shared>>)
      tpu.yield
    }) : () -> ()
    %barrier3A = arith.constant 0 : index
    tpu.barrier barrier_id(%barrier3A)
    %dma_start3A = arith.constant 0 : i32
    %dma_start3A_10 = arith.constant 0 : i32
    %dma_start3A_11 = arith.constant 0 : i32
    %dma_start3A_12 = arith.constant 0 : i32
    %dma_start3A_13 = tpu.memref_slice %arg12[%dma_start3A, %dma_start3A_11, %dma_start3A_12] : memref<2x128x128xf32, #tpu.memory_space<vmem>> -> memref<1x128x128xf32, #tpu.memory_space<vmem>>
    %dma_start3A_14 = tpu.memref_squeeze %dma_start3A_13 : memref<1x128x128xf32, #tpu.memory_space<vmem>> -> memref<128x128xf32, #tpu.memory_space<vmem>>
    %dma_start3A_15 = arith.constant 0 : i32
    %dma_start3A_16 = tpu.memref_slice %arg2[%mul3A_2, %dma_start3A_15] : memref<320000x128xf32, #tpu.memory_space<hbm>> -> memref<128x128xf32, #tpu.memory_space<hbm>>
    %dma_start3A_17 = tpu.memref_slice %arg19[%dma_start3A_10] : memref<2x!tpu.dma_semaphore, #tpu.memory_space<semaphore_mem>> -> memref<1x!tpu.dma_semaphore, #tpu.memory_space<semaphore_mem>>
    %dma_start3A_18 = tpu.memref_squeeze %dma_start3A_17 : memref<1x!tpu.dma_semaphore, #tpu.memory_space<semaphore_mem>> -> memref<!tpu.dma_semaphore, #tpu.memory_space<semaphore_mem>>
    %dma_start3A_19 = arith.constant 0 : i32
    %dma_start3A_20 = arith.constant 0 : i32
    %dma_start3A_21 = tpu.memref_slice %arg12[%dma_start3A, %dma_start3A_19, %dma_start3A_20] : memref<2x128x128xf32, #tpu.memory_space<vmem>> -> memref<1x128x128xf32, #tpu.memory_space<vmem>>
    %dma_start3A_22 = tpu.memref_squeeze %dma_start3A_21 : memref<1x128x128xf32, #tpu.memory_space<vmem>> -> memref<128x128xf32, #tpu.memory_space<vmem>>
    %dma_start3A_23 = arith.constant 0 : i32
    %dma_start3A_24 = tpu.memref_slice %arg2[%mul3A_2, %dma_start3A_23] : memref<320000x128xf32, #tpu.memory_space<hbm>> -> memref<128x128xf32, #tpu.memory_space<hbm>>
    tpu.enqueue_dma source(%dma_start3A_24 : memref<128x128xf32, #tpu.memory_space<hbm>>) target(%dma_start3A_22 : memref<128x128xf32, #tpu.memory_space<vmem>>) target_semaphore(%dma_start3A_18 : memref<!tpu.dma_semaphore, #tpu.memory_space<semaphore_mem>>)
    %add3A_25 = arith.constant 128 : i32
    %add3A_26 = arith.addi %mul3A_2, %add3A_25 : i32
    %dma_start3A_27 = arith.constant 1 : i32
    %dma_start3A_28 = arith.constant 1 : i32
    %dma_start3A_29 = arith.constant 0 : i32
    %dma_start3A_30 = arith.constant 0 : i32
    %dma_start3A_31 = tpu.memref_slice %arg12[%dma_start3A_27, %dma_start3A_29, %dma_start3A_30] : memref<2x128x128xf32, #tpu.memory_space<vmem>> -> memref<1x128x128xf32, #tpu.memory_space<vmem>>
    %dma_start3A_32 = tpu.memref_squeeze %dma_start3A_31 : memref<1x128x128xf32, #tpu.memory_space<vmem>> -> memref<128x128xf32, #tpu.memory_space<vmem>>
    %dma_start3A_33 = arith.constant 0 : i32
    %dma_start3A_34 = tpu.memref_slice %arg2[%add3A_26, %dma_start3A_33] : memref<320000x128xf32, #tpu.memory_space<hbm>> -> memref<128x128xf32, #tpu.memory_space<hbm>>
    %dma_start3A_35 = tpu.memref_slice %arg19[%dma_start3A_28] : memref<2x!tpu.dma_semaphore, #tpu.memory_space<semaphore_mem>> -> memref<1x!tpu.dma_semaphore, #tpu.memory_space<semaphore_mem>>
    %dma_start3A_36 = tpu.memref_squeeze %dma_start3A_35 : memref<1x!tpu.dma_semaphore, #tpu.memory_space<semaphore_mem>> -> memref<!tpu.dma_semaphore, #tpu.memory_space<semaphore_mem>>
    %dma_start3A_37 = arith.constant 0 : i32
    %dma_start3A_38 = arith.constant 0 : i32
    %dma_start3A_39 = tpu.memref_slice %arg12[%dma_start3A_27, %dma_start3A_37, %dma_start3A_38] : memref<2x128x128xf32, #tpu.memory_space<vmem>> -> memref<1x128x128xf32, #tpu.memory_space<vmem>>
    %dma_start3A_40 = tpu.memref_squeeze %dma_start3A_39 : memref<1x128x128xf32, #tpu.memory_space<vmem>> -> memref<128x128xf32, #tpu.memory_space<vmem>>
    %dma_start3A_41 = arith.constant 0 : i32
    %dma_start3A_42 = tpu.memref_slice %arg2[%add3A_26, %dma_start3A_41] : memref<320000x128xf32, #tpu.memory_space<hbm>> -> memref<128x128xf32, #tpu.memory_space<hbm>>
    tpu.enqueue_dma source(%dma_start3A_42 : memref<128x128xf32, #tpu.memory_space<hbm>>) target(%dma_start3A_40 : memref<128x128xf32, #tpu.memory_space<vmem>>) target_semaphore(%dma_start3A_36 : memref<!tpu.dma_semaphore, #tpu.memory_space<semaphore_mem>>)
    %dma_wait3A = arith.constant 0 : i32
    %dma_wait3A_43 = arith.constant 0 : i32
    %dma_wait3A_44 = arith.constant 0 : i32
    %dma_wait3A_45 = arith.constant 0 : i32
    %dma_wait3A_46 = tpu.memref_slice %arg12[%dma_wait3A, %dma_wait3A_44, %dma_wait3A_45] : memref<2x128x128xf32, #tpu.memory_space<vmem>> -> memref<1x128x128xf32, #tpu.memory_space<vmem>>
    %dma_wait3A_47 = tpu.memref_squeeze %dma_wait3A_46 : memref<1x128x128xf32, #tpu.memory_space<vmem>> -> memref<128x128xf32, #tpu.memory_space<vmem>>
    %dma_wait3A_48 = arith.constant 0 : i32
    %dma_wait3A_49 = tpu.memref_slice %arg2[%mul3A_2, %dma_wait3A_48] : memref<320000x128xf32, #tpu.memory_space<hbm>> -> memref<128x128xf32, #tpu.memory_space<hbm>>
    %dma_wait3A_50 = tpu.memref_slice %arg19[%dma_wait3A_43] : memref<2x!tpu.dma_semaphore, #tpu.memory_space<semaphore_mem>> -> memref<1x!tpu.dma_semaphore, #tpu.memory_space<semaphore_mem>>
    %dma_wait3A_51 = tpu.memref_squeeze %dma_wait3A_50 : memref<1x!tpu.dma_semaphore, #tpu.memory_space<semaphore_mem>> -> memref<!tpu.dma_semaphore, #tpu.memory_space<semaphore_mem>>
    %dma_wait3A_52 = arith.constant 0 : i32
    %dma_wait3A_53 = arith.constant 0 : i32
    %dma_wait3A_54 = tpu.memref_slice %arg12[%dma_wait3A, %dma_wait3A_52, %dma_wait3A_53] : memref<2x128x128xf32, #tpu.memory_space<vmem>> -> memref<1x128x128xf32, #tpu.memory_space<vmem>>
    %dma_wait3A_55 = tpu.memref_squeeze %dma_wait3A_54 : memref<1x128x128xf32, #tpu.memory_space<vmem>> -> memref<128x128xf32, #tpu.memory_space<vmem>>
    %dma_wait3A_56 = arith.constant 0 : i32
    %dma_wait3A_57 = tpu.memref_slice %arg2[%mul3A_2, %dma_wait3A_56] : memref<320000x128xf32, #tpu.memory_space<hbm>> -> memref<128x128xf32, #tpu.memory_space<hbm>>
    tpu.wait_dma2 semaphore(%dma_wait3A_51 : memref<!tpu.dma_semaphore, #tpu.memory_space<semaphore_mem>>) src(%dma_wait3A_57 : memref<128x128xf32, #tpu.memory_space<hbm>>) dst(%dma_wait3A_55 : memref<128x128xf32, #tpu.memory_space<vmem>>)
    %dma_start3A_58 = arith.constant 0 : i32
    %dma_start3A_59 = arith.constant 0 : i32
    %dma_start3A_60 = arith.constant 0 : i32
    %dma_start3A_61 = arith.constant 0 : i32
    %dma_start3A_62 = arith.constant 0 : i32
    %dma_start3A_63 = tpu.memref_slice %arg12[%dma_start3A_58, %dma_start3A_61, %dma_start3A_62] : memref<2x128x128xf32, #tpu.memory_space<vmem>> -> memref<1x128x128xf32, #tpu.memory_space<vmem>>
    %dma_start3A_64 = tpu.memref_squeeze %dma_start3A_63 : memref<1x128x128xf32, #tpu.memory_space<vmem>> -> memref<128x128xf32, #tpu.memory_space<vmem>>
    %dma_start3A_65 = arith.constant 0 : i32
    %dma_start3A_66 = tpu.memref_slice %arg13[%dma_start3A_59, %dma_start3A_65] : memref<78x128xi32, #tpu.memory_space<vmem>> -> memref<1x128xi32, #tpu.memory_space<vmem>>
    %dma_start3A_67 = tpu.memref_squeeze %dma_start3A_66 : memref<1x128xi32, #tpu.memory_space<vmem>> -> memref<128xi32, #tpu.memory_space<vmem>>
    %dma_start3A_68 = arith.constant 0 : i32
    %dma_start3A_69 = arith.constant 0 : i32
    %dma_start3A_70 = tpu.memref_slice %arg10[%dma_start3A_68, %dma_start3A_69] : memref<10240x128xf32, #tpu.memory_space<vmem_shared>> -> memref<10240x128xf32, #tpu.memory_space<vmem_shared>>
    %dma_start3A_71 = tpu.memref_slice %arg20[%dma_start3A_60] : memref<2x!tpu.dma_semaphore, #tpu.memory_space<semaphore_mem>> -> memref<1x!tpu.dma_semaphore, #tpu.memory_space<semaphore_mem>>
    %dma_start3A_72 = tpu.memref_squeeze %dma_start3A_71 : memref<1x!tpu.dma_semaphore, #tpu.memory_space<semaphore_mem>> -> memref<!tpu.dma_semaphore, #tpu.memory_space<semaphore_mem>>
    tpu.enqueue_indirect_dma source(%dma_start3A_64 : memref<128x128xf32, #tpu.memory_space<vmem>>) target(%dma_start3A_70 : memref<10240x128xf32, #tpu.memory_space<vmem_shared>>) offsets(%dma_start3A_67 : memref<128xi32, #tpu.memory_space<vmem>>) semaphore(%dma_start3A_72 : memref<!tpu.dma_semaphore, #tpu.memory_space<semaphore_mem>>) {add = true}
    %dma_start3A_73 = arith.constant 0 : i32
    %dma_start3A_74 = arith.constant 0 : i32
    %dma_start3A_75 = tpu.memref_slice %arg13[%dma_start3A_73, %dma_start3A_74] : memref<78x128xi32, #tpu.memory_space<vmem>> -> memref<1x128xi32, #tpu.memory_space<vmem>>
    %dma_start3A_76 = tpu.memref_squeeze %dma_start3A_75 : memref<1x128xi32, #tpu.memory_space<vmem>> -> memref<128xi32, #tpu.memory_space<vmem>>
    %dma_start3A_77 = arith.constant 0 : i32
    %dma_start3A_78 = tpu.memref_slice %arg11[%dma_start3A_77] : memref<10240xf32, #tpu.memory_space<vmem_shared>> -> memref<10240xf32, #tpu.memory_space<vmem_shared>>
    tpu.enqueue_indirect_dma source(%arg16 : memref<128xf32, #tpu.memory_space<vmem>>) target(%dma_start3A_78 : memref<10240xf32, #tpu.memory_space<vmem_shared>>) offsets(%dma_start3A_76 : memref<128xi32, #tpu.memory_space<vmem>>) semaphore(%arg21 : memref<!tpu.dma_semaphore, #tpu.memory_space<semaphore_mem>>) {add = true}
    %scan3A_79 = arith.constant 0 : i32
    %scan3A_80 = arith.constant 1 : i32
    %scan3A_81 = arith.constant 76 : i32
    %scan3A_82 = arith.addi %scan3A_80, %scan3A_81 : i32
    %scan3A_83 = arith.constant 1 : i32
    scf.for %scan3A_149 = %scan3A_80 to %scan3A_82 step %scan3A_83  : i32 {
      %rem3A = arith.constant 2 : i32
      %rem3A_150 = arith.remsi %scan3A_149, %rem3A : i32
      %add3A_151 = arith.constant 1 : i32
      %add3A_152 = arith.addi %scan3A_149, %add3A_151 : i32
      %rem3A_153 = arith.constant 2 : i32
      %rem3A_154 = arith.remsi %add3A_152, %rem3A_153 : i32
      %mul3A_155 = arith.constant 128 : i32
      %mul3A_156 = arith.muli %scan3A_149, %mul3A_155 : i32
      %add3A_157 = arith.addi %mul3A_2, %mul3A_156 : i32
      %dma_wait3A_158 = arith.constant 0 : i32
      %dma_wait3A_159 = arith.constant 0 : i32
      %dma_wait3A_160 = arith.constant 0 : i32
      %dma_wait3A_161 = tpu.memref_slice %arg12[%rem3A_154, %dma_wait3A_159, %dma_wait3A_160] : memref<2x128x128xf32, #tpu.memory_space<vmem>> -> memref<1x128x128xf32, #tpu.memory_space<vmem>>
      %dma_wait3A_162 = tpu.memref_squeeze %dma_wait3A_161 : memref<1x128x128xf32, #tpu.memory_space<vmem>> -> memref<128x128xf32, #tpu.memory_space<vmem>>
      %dma_wait3A_163 = arith.constant 0 : i32
      %dma_wait3A_164 = tpu.memref_slice %arg13[%dma_wait3A_158, %dma_wait3A_163] : memref<78x128xi32, #tpu.memory_space<vmem>> -> memref<1x128xi32, #tpu.memory_space<vmem>>
      %dma_wait3A_165 = tpu.memref_squeeze %dma_wait3A_164 : memref<1x128xi32, #tpu.memory_space<vmem>> -> memref<128xi32, #tpu.memory_space<vmem>>
      %dma_wait3A_166 = arith.constant 0 : i32
      %dma_wait3A_167 = arith.constant 0 : i32
      %dma_wait3A_168 = tpu.memref_slice %arg10[%dma_wait3A_166, %dma_wait3A_167] : memref<10240x128xf32, #tpu.memory_space<vmem_shared>> -> memref<10240x128xf32, #tpu.memory_space<vmem_shared>>
      %dma_wait3A_169 = tpu.memref_slice %arg20[%rem3A_154] : memref<2x!tpu.dma_semaphore, #tpu.memory_space<semaphore_mem>> -> memref<1x!tpu.dma_semaphore, #tpu.memory_space<semaphore_mem>>
      %dma_wait3A_170 = tpu.memref_squeeze %dma_wait3A_169 : memref<1x!tpu.dma_semaphore, #tpu.memory_space<semaphore_mem>> -> memref<!tpu.dma_semaphore, #tpu.memory_space<semaphore_mem>>
      tpu.wait_indirect_dma semaphore(%dma_wait3A_170 : memref<!tpu.dma_semaphore, #tpu.memory_space<semaphore_mem>>) src(%dma_wait3A_162 : memref<128x128xf32, #tpu.memory_space<vmem>>) dst(%dma_wait3A_168 : memref<10240x128xf32, #tpu.memory_space<vmem_shared>>)
      %add3A_171 = arith.constant 128 : i32
      %add3A_172 = arith.addi %add3A_157, %add3A_171 : i32
      %dma_start3A_173 = arith.constant 0 : i32
      %dma_start3A_174 = arith.constant 0 : i32
      %dma_start3A_175 = tpu.memref_slice %arg12[%rem3A_154, %dma_start3A_173, %dma_start3A_174] : memref<2x128x128xf32, #tpu.memory_space<vmem>> -> memref<1x128x128xf32, #tpu.memory_space<vmem>>
      %dma_start3A_176 = tpu.memref_squeeze %dma_start3A_175 : memref<1x128x128xf32, #tpu.memory_space<vmem>> -> memref<128x128xf32, #tpu.memory_space<vmem>>
      %dma_start3A_177 = arith.constant 0 : i32
      %dma_start3A_178 = tpu.memref_slice %arg2[%add3A_172, %dma_start3A_177] : memref<320000x128xf32, #tpu.memory_space<hbm>> -> memref<128x128xf32, #tpu.memory_space<hbm>>
      %dma_start3A_179 = tpu.memref_slice %arg19[%rem3A_154] : memref<2x!tpu.dma_semaphore, #tpu.memory_space<semaphore_mem>> -> memref<1x!tpu.dma_semaphore, #tpu.memory_space<semaphore_mem>>
      %dma_start3A_180 = tpu.memref_squeeze %dma_start3A_179 : memref<1x!tpu.dma_semaphore, #tpu.memory_space<semaphore_mem>> -> memref<!tpu.dma_semaphore, #tpu.memory_space<semaphore_mem>>
      %dma_start3A_181 = arith.constant 0 : i32
      %dma_start3A_182 = arith.constant 0 : i32
      %dma_start3A_183 = tpu.memref_slice %arg12[%rem3A_154, %dma_start3A_181, %dma_start3A_182] : memref<2x128x128xf32, #tpu.memory_space<vmem>> -> memref<1x128x128xf32, #tpu.memory_space<vmem>>
      %dma_start3A_184 = tpu.memref_squeeze %dma_start3A_183 : memref<1x128x128xf32, #tpu.memory_space<vmem>> -> memref<128x128xf32, #tpu.memory_space<vmem>>
      %dma_start3A_185 = arith.constant 0 : i32
      %dma_start3A_186 = tpu.memref_slice %arg2[%add3A_172, %dma_start3A_185] : memref<320000x128xf32, #tpu.memory_space<hbm>> -> memref<128x128xf32, #tpu.memory_space<hbm>>
      tpu.enqueue_dma source(%dma_start3A_186 : memref<128x128xf32, #tpu.memory_space<hbm>>) target(%dma_start3A_184 : memref<128x128xf32, #tpu.memory_space<vmem>>) target_semaphore(%dma_start3A_180 : memref<!tpu.dma_semaphore, #tpu.memory_space<semaphore_mem>>)
      %dma_wait3A_187 = arith.constant 0 : i32
      %dma_wait3A_188 = arith.constant 0 : i32
      %dma_wait3A_189 = tpu.memref_slice %arg12[%rem3A_150, %dma_wait3A_187, %dma_wait3A_188] : memref<2x128x128xf32, #tpu.memory_space<vmem>> -> memref<1x128x128xf32, #tpu.memory_space<vmem>>
      %dma_wait3A_190 = tpu.memref_squeeze %dma_wait3A_189 : memref<1x128x128xf32, #tpu.memory_space<vmem>> -> memref<128x128xf32, #tpu.memory_space<vmem>>
      %dma_wait3A_191 = arith.constant 0 : i32
      %dma_wait3A_192 = tpu.memref_slice %arg2[%add3A_157, %dma_wait3A_191] : memref<320000x128xf32, #tpu.memory_space<hbm>> -> memref<128x128xf32, #tpu.memory_space<hbm>>
      %dma_wait3A_193 = tpu.memref_slice %arg19[%rem3A_150] : memref<2x!tpu.dma_semaphore, #tpu.memory_space<semaphore_mem>> -> memref<1x!tpu.dma_semaphore, #tpu.memory_space<semaphore_mem>>
      %dma_wait3A_194 = tpu.memref_squeeze %dma_wait3A_193 : memref<1x!tpu.dma_semaphore, #tpu.memory_space<semaphore_mem>> -> memref<!tpu.dma_semaphore, #tpu.memory_space<semaphore_mem>>
      %dma_wait3A_195 = arith.constant 0 : i32
      %dma_wait3A_196 = arith.constant 0 : i32
      %dma_wait3A_197 = tpu.memref_slice %arg12[%rem3A_150, %dma_wait3A_195, %dma_wait3A_196] : memref<2x128x128xf32, #tpu.memory_space<vmem>> -> memref<1x128x128xf32, #tpu.memory_space<vmem>>
      %dma_wait3A_198 = tpu.memref_squeeze %dma_wait3A_197 : memref<1x128x128xf32, #tpu.memory_space<vmem>> -> memref<128x128xf32, #tpu.memory_space<vmem>>
      %dma_wait3A_199 = arith.constant 0 : i32
      %dma_wait3A_200 = tpu.memref_slice %arg2[%add3A_157, %dma_wait3A_199] : memref<320000x128xf32, #tpu.memory_space<hbm>> -> memref<128x128xf32, #tpu.memory_space<hbm>>
      tpu.wait_dma2 semaphore(%dma_wait3A_194 : memref<!tpu.dma_semaphore, #tpu.memory_space<semaphore_mem>>) src(%dma_wait3A_200 : memref<128x128xf32, #tpu.memory_space<hbm>>) dst(%dma_wait3A_198 : memref<128x128xf32, #tpu.memory_space<vmem>>)
      %dma_start3A_201 = arith.constant 0 : i32
      %dma_start3A_202 = arith.constant 0 : i32
      %dma_start3A_203 = tpu.memref_slice %arg12[%rem3A_150, %dma_start3A_201, %dma_start3A_202] : memref<2x128x128xf32, #tpu.memory_space<vmem>> -> memref<1x128x128xf32, #tpu.memory_space<vmem>>
      %dma_start3A_204 = tpu.memref_squeeze %dma_start3A_203 : memref<1x128x128xf32, #tpu.memory_space<vmem>> -> memref<128x128xf32, #tpu.memory_space<vmem>>
      %dma_start3A_205 = arith.constant 0 : i32
      %dma_start3A_206 = tpu.memref_slice %arg13[%scan3A_149, %dma_start3A_205] : memref<78x128xi32, #tpu.memory_space<vmem>> -> memref<1x128xi32, #tpu.memory_space<vmem>>
      %dma_start3A_207 = tpu.memref_squeeze %dma_start3A_206 : memref<1x128xi32, #tpu.memory_space<vmem>> -> memref<128xi32, #tpu.memory_space<vmem>>
      %dma_start3A_208 = arith.constant 0 : i32
      %dma_start3A_209 = arith.constant 0 : i32
      %dma_start3A_210 = tpu.memref_slice %arg10[%dma_start3A_208, %dma_start3A_209] : memref<10240x128xf32, #tpu.memory_space<vmem_shared>> -> memref<10240x128xf32, #tpu.memory_space<vmem_shared>>
      %dma_start3A_211 = tpu.memref_slice %arg20[%rem3A_150] : memref<2x!tpu.dma_semaphore, #tpu.memory_space<semaphore_mem>> -> memref<1x!tpu.dma_semaphore, #tpu.memory_space<semaphore_mem>>
      %dma_start3A_212 = tpu.memref_squeeze %dma_start3A_211 : memref<1x!tpu.dma_semaphore, #tpu.memory_space<semaphore_mem>> -> memref<!tpu.dma_semaphore, #tpu.memory_space<semaphore_mem>>
      tpu.enqueue_indirect_dma source(%dma_start3A_204 : memref<128x128xf32, #tpu.memory_space<vmem>>) target(%dma_start3A_210 : memref<10240x128xf32, #tpu.memory_space<vmem_shared>>) offsets(%dma_start3A_207 : memref<128xi32, #tpu.memory_space<vmem>>) semaphore(%dma_start3A_212 : memref<!tpu.dma_semaphore, #tpu.memory_space<semaphore_mem>>) {add = true}
      %dma_start3A_213 = arith.constant 0 : i32
      %dma_start3A_214 = tpu.memref_slice %arg13[%scan3A_149, %dma_start3A_213] : memref<78x128xi32, #tpu.memory_space<vmem>> -> memref<1x128xi32, #tpu.memory_space<vmem>>
      %dma_start3A_215 = tpu.memref_squeeze %dma_start3A_214 : memref<1x128xi32, #tpu.memory_space<vmem>> -> memref<128xi32, #tpu.memory_space<vmem>>
      %dma_start3A_216 = arith.constant 0 : i32
      %dma_start3A_217 = tpu.memref_slice %arg11[%dma_start3A_216] : memref<10240xf32, #tpu.memory_space<vmem_shared>> -> memref<10240xf32, #tpu.memory_space<vmem_shared>>
      tpu.enqueue_indirect_dma source(%arg16 : memref<128xf32, #tpu.memory_space<vmem>>) target(%dma_start3A_217 : memref<10240xf32, #tpu.memory_space<vmem_shared>>) offsets(%dma_start3A_215 : memref<128xi32, #tpu.memory_space<vmem>>) semaphore(%arg21 : memref<!tpu.dma_semaphore, #tpu.memory_space<semaphore_mem>>) {add = true}
    }
    %scan3A_84 = arith.constant 76 : i32
    %dma_wait3A_85 = arith.constant 0 : i32
    %dma_wait3A_86 = arith.constant 0 : i32
    %dma_wait3A_87 = arith.constant 0 : i32
    %dma_wait3A_88 = arith.constant 0 : i32
    %dma_wait3A_89 = arith.constant 0 : i32
    %dma_wait3A_90 = tpu.memref_slice %arg12[%dma_wait3A_85, %dma_wait3A_88, %dma_wait3A_89] : memref<2x128x128xf32, #tpu.memory_space<vmem>> -> memref<1x128x128xf32, #tpu.memory_space<vmem>>
    %dma_wait3A_91 = tpu.memref_squeeze %dma_wait3A_90 : memref<1x128x128xf32, #tpu.memory_space<vmem>> -> memref<128x128xf32, #tpu.memory_space<vmem>>
    %dma_wait3A_92 = arith.constant 0 : i32
    %dma_wait3A_93 = tpu.memref_slice %arg13[%dma_wait3A_86, %dma_wait3A_92] : memref<78x128xi32, #tpu.memory_space<vmem>> -> memref<1x128xi32, #tpu.memory_space<vmem>>
    %dma_wait3A_94 = tpu.memref_squeeze %dma_wait3A_93 : memref<1x128xi32, #tpu.memory_space<vmem>> -> memref<128xi32, #tpu.memory_space<vmem>>
    %dma_wait3A_95 = arith.constant 0 : i32
    %dma_wait3A_96 = arith.constant 0 : i32
    %dma_wait3A_97 = tpu.memref_slice %arg10[%dma_wait3A_95, %dma_wait3A_96] : memref<10240x128xf32, #tpu.memory_space<vmem_shared>> -> memref<10240x128xf32, #tpu.memory_space<vmem_shared>>
    %dma_wait3A_98 = tpu.memref_slice %arg20[%dma_wait3A_87] : memref<2x!tpu.dma_semaphore, #tpu.memory_space<semaphore_mem>> -> memref<1x!tpu.dma_semaphore, #tpu.memory_space<semaphore_mem>>
    %dma_wait3A_99 = tpu.memref_squeeze %dma_wait3A_98 : memref<1x!tpu.dma_semaphore, #tpu.memory_space<semaphore_mem>> -> memref<!tpu.dma_semaphore, #tpu.memory_space<semaphore_mem>>
    tpu.wait_indirect_dma semaphore(%dma_wait3A_99 : memref<!tpu.dma_semaphore, #tpu.memory_space<semaphore_mem>>) src(%dma_wait3A_91 : memref<128x128xf32, #tpu.memory_space<vmem>>) dst(%dma_wait3A_97 : memref<10240x128xf32, #tpu.memory_space<vmem_shared>>)
    %add3A_100 = arith.constant 9856 : i32
    %add3A_101 = arith.addi %mul3A_2, %add3A_100 : i32
    %dma_wait3A_102 = arith.constant 1 : i32
    %dma_wait3A_103 = arith.constant 1 : i32
    %dma_wait3A_104 = arith.constant 0 : i32
    %dma_wait3A_105 = arith.constant 0 : i32
    %dma_wait3A_106 = tpu.memref_slice %arg12[%dma_wait3A_102, %dma_wait3A_104, %dma_wait3A_105] : memref<2x128x128xf32, #tpu.memory_space<vmem>> -> memref<1x128x128xf32, #tpu.memory_space<vmem>>
    %dma_wait3A_107 = tpu.memref_squeeze %dma_wait3A_106 : memref<1x128x128xf32, #tpu.memory_space<vmem>> -> memref<128x128xf32, #tpu.memory_space<vmem>>
    %dma_wait3A_108 = arith.constant 0 : i32
    %dma_wait3A_109 = tpu.memref_slice %arg2[%add3A_101, %dma_wait3A_108] : memref<320000x128xf32, #tpu.memory_space<hbm>> -> memref<128x128xf32, #tpu.memory_space<hbm>>
    %dma_wait3A_110 = tpu.memref_slice %arg19[%dma_wait3A_103] : memref<2x!tpu.dma_semaphore, #tpu.memory_space<semaphore_mem>> -> memref<1x!tpu.dma_semaphore, #tpu.memory_space<semaphore_mem>>
    %dma_wait3A_111 = tpu.memref_squeeze %dma_wait3A_110 : memref<1x!tpu.dma_semaphore, #tpu.memory_space<semaphore_mem>> -> memref<!tpu.dma_semaphore, #tpu.memory_space<semaphore_mem>>
    %dma_wait3A_112 = arith.constant 0 : i32
    %dma_wait3A_113 = arith.constant 0 : i32
    %dma_wait3A_114 = tpu.memref_slice %arg12[%dma_wait3A_102, %dma_wait3A_112, %dma_wait3A_113] : memref<2x128x128xf32, #tpu.memory_space<vmem>> -> memref<1x128x128xf32, #tpu.memory_space<vmem>>
    %dma_wait3A_115 = tpu.memref_squeeze %dma_wait3A_114 : memref<1x128x128xf32, #tpu.memory_space<vmem>> -> memref<128x128xf32, #tpu.memory_space<vmem>>
    %dma_wait3A_116 = arith.constant 0 : i32
    %dma_wait3A_117 = tpu.memref_slice %arg2[%add3A_101, %dma_wait3A_116] : memref<320000x128xf32, #tpu.memory_space<hbm>> -> memref<128x128xf32, #tpu.memory_space<hbm>>
    tpu.wait_dma2 semaphore(%dma_wait3A_111 : memref<!tpu.dma_semaphore, #tpu.memory_space<semaphore_mem>>) src(%dma_wait3A_117 : memref<128x128xf32, #tpu.memory_space<hbm>>) dst(%dma_wait3A_115 : memref<128x128xf32, #tpu.memory_space<vmem>>)
    %run_scoped3A = arith.constant 1 : i32
    %run_scoped3A_118 = arith.constant 77 : i32
    "tpu.region"() ({
      %run_scoped3A_149 = tpu.sem_alloc : memref<!tpu.dma_semaphore, #tpu.memory_space<semaphore_mem>>
      %dma_start3A_150 = arith.constant 0 : i32
      %dma_start3A_151 = arith.constant 0 : i32
      %dma_start3A_152 = tpu.memref_slice %arg12[%run_scoped3A, %dma_start3A_150, %dma_start3A_151] : memref<2x128x128xf32, #tpu.memory_space<vmem>> -> memref<1x128x128xf32, #tpu.memory_space<vmem>>
      %dma_start3A_153 = tpu.memref_squeeze %dma_start3A_152 : memref<1x128x128xf32, #tpu.memory_space<vmem>> -> memref<128x128xf32, #tpu.memory_space<vmem>>
      %dma_start3A_154 = arith.constant 0 : i32
      %dma_start3A_155 = tpu.memref_slice %arg13[%run_scoped3A_118, %dma_start3A_154] : memref<78x128xi32, #tpu.memory_space<vmem>> -> memref<1x128xi32, #tpu.memory_space<vmem>>
      %dma_start3A_156 = tpu.memref_squeeze %dma_start3A_155 : memref<1x128xi32, #tpu.memory_space<vmem>> -> memref<128xi32, #tpu.memory_space<vmem>>
      %dma_start3A_157 = arith.constant 0 : i32
      %dma_start3A_158 = arith.constant 0 : i32
      %dma_start3A_159 = tpu.memref_slice %arg10[%dma_start3A_157, %dma_start3A_158] : memref<10240x128xf32, #tpu.memory_space<vmem_shared>> -> memref<10240x128xf32, #tpu.memory_space<vmem_shared>>
      tpu.enqueue_indirect_dma source(%dma_start3A_153 : memref<128x128xf32, #tpu.memory_space<vmem>>) target(%dma_start3A_159 : memref<10240x128xf32, #tpu.memory_space<vmem_shared>>) offsets(%dma_start3A_156 : memref<128xi32, #tpu.memory_space<vmem>>) semaphore(%run_scoped3A_149 : memref<!tpu.dma_semaphore, #tpu.memory_space<semaphore_mem>>) {add = true}
      %dma_wait3A_160 = arith.constant 0 : i32
      %dma_wait3A_161 = arith.constant 0 : i32
      %dma_wait3A_162 = tpu.memref_slice %arg12[%run_scoped3A, %dma_wait3A_160, %dma_wait3A_161] : memref<2x128x128xf32, #tpu.memory_space<vmem>> -> memref<1x128x128xf32, #tpu.memory_space<vmem>>
      %dma_wait3A_163 = tpu.memref_squeeze %dma_wait3A_162 : memref<1x128x128xf32, #tpu.memory_space<vmem>> -> memref<128x128xf32, #tpu.memory_space<vmem>>
      %dma_wait3A_164 = arith.constant 0 : i32
      %dma_wait3A_165 = tpu.memref_slice %arg13[%run_scoped3A_118, %dma_wait3A_164] : memref<78x128xi32, #tpu.memory_space<vmem>> -> memref<1x128xi32, #tpu.memory_space<vmem>>
      %dma_wait3A_166 = tpu.memref_squeeze %dma_wait3A_165 : memref<1x128xi32, #tpu.memory_space<vmem>> -> memref<128xi32, #tpu.memory_space<vmem>>
      %dma_wait3A_167 = arith.constant 0 : i32
      %dma_wait3A_168 = arith.constant 0 : i32
      %dma_wait3A_169 = tpu.memref_slice %arg10[%dma_wait3A_167, %dma_wait3A_168] : memref<10240x128xf32, #tpu.memory_space<vmem_shared>> -> memref<10240x128xf32, #tpu.memory_space<vmem_shared>>
      tpu.wait_indirect_dma semaphore(%run_scoped3A_149 : memref<!tpu.dma_semaphore, #tpu.memory_space<semaphore_mem>>) src(%dma_wait3A_163 : memref<128x128xf32, #tpu.memory_space<vmem>>) dst(%dma_wait3A_169 : memref<10240x128xf32, #tpu.memory_space<vmem_shared>>)
      tpu.yield
    }) : () -> ()
    %dma_start3A_119 = arith.constant 77 : i32
    %dma_start3A_120 = arith.constant 0 : i32
    %dma_start3A_121 = tpu.memref_slice %arg13[%dma_start3A_119, %dma_start3A_120] : memref<78x128xi32, #tpu.memory_space<vmem>> -> memref<1x128xi32, #tpu.memory_space<vmem>>
    %dma_start3A_122 = tpu.memref_squeeze %dma_start3A_121 : memref<1x128xi32, #tpu.memory_space<vmem>> -> memref<128xi32, #tpu.memory_space<vmem>>
    %dma_start3A_123 = arith.constant 0 : i32
    %dma_start3A_124 = tpu.memref_slice %arg11[%dma_start3A_123] : memref<10240xf32, #tpu.memory_space<vmem_shared>> -> memref<10240xf32, #tpu.memory_space<vmem_shared>>
    tpu.enqueue_indirect_dma source(%arg16 : memref<128xf32, #tpu.memory_space<vmem>>) target(%dma_start3A_124 : memref<10240xf32, #tpu.memory_space<vmem_shared>>) offsets(%dma_start3A_122 : memref<128xi32, #tpu.memory_space<vmem>>) semaphore(%arg21 : memref<!tpu.dma_semaphore, #tpu.memory_space<semaphore_mem>>) {add = true}
    %add3A_125 = arith.constant 9984 : i32
    %add3A_126 = arith.addi %mul3A_2, %add3A_125 : i32
    "tpu.region"() ({
      %run_scoped3A_149 = tpu.sem_alloc : memref<!tpu.dma_semaphore, #tpu.memory_space<semaphore_mem>>
      %dma_start3A_150 = arith.constant 0 : i32
      %dma_start3A_151 = tpu.memref_slice %arg2[%add3A_126, %dma_start3A_150] : memref<320000x128xf32, #tpu.memory_space<hbm>> -> memref<16x128xf32, #tpu.memory_space<hbm>>
      %dma_start3A_152 = arith.constant 0 : i32
      %dma_start3A_153 = tpu.memref_slice %arg2[%add3A_126, %dma_start3A_152] : memref<320000x128xf32, #tpu.memory_space<hbm>> -> memref<16x128xf32, #tpu.memory_space<hbm>>
      tpu.enqueue_dma source(%dma_start3A_153 : memref<16x128xf32, #tpu.memory_space<hbm>>) target(%arg14 : memref<16x128xf32, #tpu.memory_space<vmem>>) target_semaphore(%run_scoped3A_149 : memref<!tpu.dma_semaphore, #tpu.memory_space<semaphore_mem>>)
      %dma_wait3A_154 = arith.constant 0 : i32
      %dma_wait3A_155 = tpu.memref_slice %arg2[%add3A_126, %dma_wait3A_154] : memref<320000x128xf32, #tpu.memory_space<hbm>> -> memref<16x128xf32, #tpu.memory_space<hbm>>
      %dma_wait3A_156 = arith.constant 0 : i32
      %dma_wait3A_157 = tpu.memref_slice %arg2[%add3A_126, %dma_wait3A_156] : memref<320000x128xf32, #tpu.memory_space<hbm>> -> memref<16x128xf32, #tpu.memory_space<hbm>>
      tpu.wait_dma2 semaphore(%run_scoped3A_149 : memref<!tpu.dma_semaphore, #tpu.memory_space<semaphore_mem>>) src(%dma_wait3A_157 : memref<16x128xf32, #tpu.memory_space<hbm>>) dst(%arg14 : memref<16x128xf32, #tpu.memory_space<vmem>>)
      tpu.yield
    }) : () -> ()
    %run_scoped3A_127 = arith.constant 0 : i32
    "tpu.region"() ({
      %run_scoped3A_149 = tpu.sem_alloc : memref<!tpu.dma_semaphore, #tpu.memory_space<semaphore_mem>>
      %dma_start3A_150 = arith.constant 0 : i32
      %dma_start3A_151 = tpu.memref_slice %arg15[%run_scoped3A_127, %dma_start3A_150] : memref<1x16xi32, #tpu.memory_space<vmem>> -> memref<1x16xi32, #tpu.memory_space<vmem>>
      %dma_start3A_152 = tpu.memref_squeeze %dma_start3A_151 : memref<1x16xi32, #tpu.memory_space<vmem>> -> memref<16xi32, #tpu.memory_space<vmem>>
      %dma_start3A_153 = arith.constant 0 : i32
      %dma_start3A_154 = arith.constant 0 : i32
      %dma_start3A_155 = tpu.memref_slice %arg10[%dma_start3A_153, %dma_start3A_154] : memref<10240x128xf32, #tpu.memory_space<vmem_shared>> -> memref<10240x128xf32, #tpu.memory_space<vmem_shared>>
      tpu.enqueue_indirect_dma source(%arg14 : memref<16x128xf32, #tpu.memory_space<vmem>>) target(%dma_start3A_155 : memref<10240x128xf32, #tpu.memory_space<vmem_shared>>) offsets(%dma_start3A_152 : memref<16xi32, #tpu.memory_space<vmem>>) semaphore(%run_scoped3A_149 : memref<!tpu.dma_semaphore, #tpu.memory_space<semaphore_mem>>) {add = true}
      %dma_wait3A_156 = arith.constant 0 : i32
      %dma_wait3A_157 = tpu.memref_slice %arg15[%run_scoped3A_127, %dma_wait3A_156] : memref<1x16xi32, #tpu.memory_space<vmem>> -> memref<1x16xi32, #tpu.memory_space<vmem>>
      %dma_wait3A_158 = tpu.memref_squeeze %dma_wait3A_157 : memref<1x16xi32, #tpu.memory_space<vmem>> -> memref<16xi32, #tpu.memory_space<vmem>>
      %dma_wait3A_159 = arith.constant 0 : i32
      %dma_wait3A_160 = arith.constant 0 : i32
      %dma_wait3A_161 = tpu.memref_slice %arg10[%dma_wait3A_159, %dma_wait3A_160] : memref<10240x128xf32, #tpu.memory_space<vmem_shared>> -> memref<10240x128xf32, #tpu.memory_space<vmem_shared>>
      tpu.wait_indirect_dma semaphore(%run_scoped3A_149 : memref<!tpu.dma_semaphore, #tpu.memory_space<semaphore_mem>>) src(%arg14 : memref<16x128xf32, #tpu.memory_space<vmem>>) dst(%dma_wait3A_161 : memref<10240x128xf32, #tpu.memory_space<vmem_shared>>)
      tpu.yield
    }) : () -> ()
    %run_scoped3A_128 = arith.constant 0 : i32
    "tpu.region"() ({
      %run_scoped3A_149 = tpu.sem_alloc : memref<!tpu.dma_semaphore, #tpu.memory_space<semaphore_mem>>
      %dma_start3A_150 = arith.constant 0 : i32
      %dma_start3A_151 = tpu.memref_slice %arg15[%run_scoped3A_128, %dma_start3A_150] : memref<1x16xi32, #tpu.memory_space<vmem>> -> memref<1x16xi32, #tpu.memory_space<vmem>>
      %dma_start3A_152 = tpu.memref_squeeze %dma_start3A_151 : memref<1x16xi32, #tpu.memory_space<vmem>> -> memref<16xi32, #tpu.memory_space<vmem>>
      %dma_start3A_153 = arith.constant 0 : i32
      %dma_start3A_154 = tpu.memref_slice %arg11[%dma_start3A_153] : memref<10240xf32, #tpu.memory_space<vmem_shared>> -> memref<10240xf32, #tpu.memory_space<vmem_shared>>
      tpu.enqueue_indirect_dma source(%arg17 : memref<16xf32, #tpu.memory_space<vmem>>) target(%dma_start3A_154 : memref<10240xf32, #tpu.memory_space<vmem_shared>>) offsets(%dma_start3A_152 : memref<16xi32, #tpu.memory_space<vmem>>) semaphore(%run_scoped3A_149 : memref<!tpu.dma_semaphore, #tpu.memory_space<semaphore_mem>>) {add = true}
      %dma_wait3A_155 = arith.constant 0 : i32
      %dma_wait3A_156 = tpu.memref_slice %arg15[%run_scoped3A_128, %dma_wait3A_155] : memref<1x16xi32, #tpu.memory_space<vmem>> -> memref<1x16xi32, #tpu.memory_space<vmem>>
      %dma_wait3A_157 = tpu.memref_squeeze %dma_wait3A_156 : memref<1x16xi32, #tpu.memory_space<vmem>> -> memref<16xi32, #tpu.memory_space<vmem>>
      %dma_wait3A_158 = arith.constant 0 : i32
      %dma_wait3A_159 = tpu.memref_slice %arg11[%dma_wait3A_158] : memref<10240xf32, #tpu.memory_space<vmem_shared>> -> memref<10240xf32, #tpu.memory_space<vmem_shared>>
      tpu.wait_indirect_dma semaphore(%run_scoped3A_149 : memref<!tpu.dma_semaphore, #tpu.memory_space<semaphore_mem>>) src(%arg17 : memref<16xf32, #tpu.memory_space<vmem>>) dst(%dma_wait3A_159 : memref<10240xf32, #tpu.memory_space<vmem_shared>>)
      tpu.yield
    }) : () -> ()
    %scan3A_129 = arith.constant 0 : i32
    %scan3A_130 = arith.constant 0 : i32
    %scan3A_131 = arith.constant 78 : i32
    %scan3A_132 = arith.addi %scan3A_130, %scan3A_131 : i32
    %scan3A_133 = arith.constant 1 : i32
    scf.for %scan3A_149 = %scan3A_130 to %scan3A_132 step %scan3A_133  : i32 {
      %dma_wait3A_150 = arith.constant 0 : i32
      %dma_wait3A_151 = arith.constant 0 : i32
      %dma_wait3A_152 = tpu.memref_slice %arg13[%dma_wait3A_150, %dma_wait3A_151] : memref<78x128xi32, #tpu.memory_space<vmem>> -> memref<1x128xi32, #tpu.memory_space<vmem>>
      %dma_wait3A_153 = tpu.memref_squeeze %dma_wait3A_152 : memref<1x128xi32, #tpu.memory_space<vmem>> -> memref<128xi32, #tpu.memory_space<vmem>>
      %dma_wait3A_154 = arith.constant 0 : i32
      %dma_wait3A_155 = tpu.memref_slice %arg11[%dma_wait3A_154] : memref<10240xf32, #tpu.memory_space<vmem_shared>> -> memref<10240xf32, #tpu.memory_space<vmem_shared>>
      tpu.wait_indirect_dma semaphore(%arg21 : memref<!tpu.dma_semaphore, #tpu.memory_space<semaphore_mem>>) src(%arg16 : memref<128xf32, #tpu.memory_space<vmem>>) dst(%dma_wait3A_155 : memref<10240xf32, #tpu.memory_space<vmem_shared>>)
    }
    %scan3A_134 = arith.constant 78 : i32
    %barrier3A_135 = arith.constant 0 : index
    tpu.barrier barrier_id(%barrier3A_135)
    %scan3A_136 = arith.constant 0 : i32
    %scan3A_137 = arith.constant 0 : i32
    %scan3A_138 = arith.constant 5 : i32
    %scan3A_139 = arith.addi %scan3A_137, %scan3A_138 : i32
    %scan3A_140 = arith.constant 1 : i32
    scf.for %scan3A_149 = %scan3A_137 to %scan3A_139 step %scan3A_140  : i32 {
      %mul3A_150 = arith.constant 16 : i32
      %mul3A_151 = arith.muli %scan3A_149, %mul3A_150 : i32
      %add3A_152 = arith.addi %arg1, %mul3A_151 : i32
      %mul3A_153 = arith.constant 128 : i32
      %mul3A_154 = arith.muli %add3A_152, %mul3A_153 : i32
      %multiple_of3A = tpu.assume_multiple %mul3A_154, 128 : i32
      "tpu.region"() ({
        %run_scoped3A_155 = tpu.sem_alloc : memref<!tpu.dma_semaphore, #tpu.memory_space<semaphore_mem>>
        %dma_start3A_156 = arith.constant 0 : i32
        %dma_start3A_157 = tpu.memref_slice %arg8[%arg0, %multiple_of3A, %dma_start3A_156] : memref<2x10240x128xf32, #tpu.memory_space<hbm>> -> memref<1x128x128xf32, #tpu.memory_space<hbm>>
        %dma_start3A_158 = tpu.memref_squeeze %dma_start3A_157 : memref<1x128x128xf32, #tpu.memory_space<hbm>> -> memref<128x128xf32, #tpu.memory_space<hbm>>
        %dma_start3A_159 = arith.constant 0 : i32
        %dma_start3A_160 = tpu.memref_slice %arg10[%multiple_of3A, %dma_start3A_159] : memref<10240x128xf32, #tpu.memory_space<vmem_shared>> -> memref<128x128xf32, #tpu.memory_space<vmem_shared>>
        tpu.enqueue_dma source(%dma_start3A_160 : memref<128x128xf32, #tpu.memory_space<vmem_shared>>) target(%dma_start3A_158 : memref<128x128xf32, #tpu.memory_space<hbm>>) target_semaphore(%run_scoped3A_155 : memref<!tpu.dma_semaphore, #tpu.memory_space<semaphore_mem>>)
        %dma_wait3A_161 = arith.constant 0 : i32
        %dma_wait3A_162 = tpu.memref_slice %arg8[%arg0, %multiple_of3A, %dma_wait3A_161] : memref<2x10240x128xf32, #tpu.memory_space<hbm>> -> memref<1x128x128xf32, #tpu.memory_space<hbm>>
        %dma_wait3A_163 = tpu.memref_squeeze %dma_wait3A_162 : memref<1x128x128xf32, #tpu.memory_space<hbm>> -> memref<128x128xf32, #tpu.memory_space<hbm>>
        %dma_wait3A_164 = arith.constant 0 : i32
        %dma_wait3A_165 = tpu.memref_slice %arg10[%multiple_of3A, %dma_wait3A_164] : memref<10240x128xf32, #tpu.memory_space<vmem_shared>> -> memref<128x128xf32, #tpu.memory_space<vmem_shared>>
        tpu.wait_dma2 semaphore(%run_scoped3A_155 : memref<!tpu.dma_semaphore, #tpu.memory_space<semaphore_mem>>) src(%dma_wait3A_165 : memref<128x128xf32, #tpu.memory_space<vmem_shared>>) dst(%dma_wait3A_163 : memref<128x128xf32, #tpu.memory_space<hbm>>)
        tpu.yield
      }) : () -> ()
    }
    %scan3A_141 = arith.constant 5 : i32
    %mul3A_142 = arith.constant 640 : i32
    %mul3A_143 = arith.muli %arg1, %mul3A_142 : i32
    "tpu.region"() ({
      %run_scoped3A_149 = tpu.sem_alloc : memref<!tpu.dma_semaphore, #tpu.memory_space<semaphore_mem>>
      %dma_start3A_150 = tpu.memref_slice %arg11[%mul3A_143] : memref<10240xf32, #tpu.memory_space<vmem_shared>> -> memref<640xf32, #tpu.memory_space<vmem_shared>>
      %dma_start3A_151 = tpu.memref_slice %arg11[%mul3A_143] : memref<10240xf32, #tpu.memory_space<vmem_shared>> -> memref<640xf32, #tpu.memory_space<vmem_shared>>
      tpu.enqueue_dma source(%dma_start3A_151 : memref<640xf32, #tpu.memory_space<vmem_shared>>) target(%arg18 : memref<640xf32, #tpu.memory_space<vmem>>) target_semaphore(%run_scoped3A_149 : memref<!tpu.dma_semaphore, #tpu.memory_space<semaphore_mem>>)
      %dma_wait3A_152 = tpu.memref_slice %arg11[%mul3A_143] : memref<10240xf32, #tpu.memory_space<vmem_shared>> -> memref<640xf32, #tpu.memory_space<vmem_shared>>
      %dma_wait3A_153 = tpu.memref_slice %arg11[%mul3A_143] : memref<10240xf32, #tpu.memory_space<vmem_shared>> -> memref<640xf32, #tpu.memory_space<vmem_shared>>
      tpu.wait_dma2 semaphore(%run_scoped3A_149 : memref<!tpu.dma_semaphore, #tpu.memory_space<semaphore_mem>>) src(%dma_wait3A_153 : memref<640xf32, #tpu.memory_space<vmem_shared>>) dst(%arg18 : memref<640xf32, #tpu.memory_space<vmem>>)
      tpu.yield
    }) : () -> ()
    %mul3A_144 = arith.constant 10240 : i32
    %mul3A_145 = arith.muli %arg0, %mul3A_144 : i32
    %mul3A_146 = arith.constant 640 : i32
    %mul3A_147 = arith.muli %arg1, %mul3A_146 : i32
    %add3A_148 = arith.addi %mul3A_145, %mul3A_147 : i32
    "tpu.region"() ({
      %run_scoped3A_149 = tpu.sem_alloc : memref<!tpu.dma_semaphore, #tpu.memory_space<semaphore_mem>>
      %dma_start3A_150 = tpu.memref_slice %arg9[%add3A_148] : memref<20480xf32, #tpu.memory_space<hbm>> -> memref<640xf32, #tpu.memory_space<hbm>>
      %dma_start3A_151 = tpu.memref_slice %arg9[%add3A_148] : memref<20480xf32, #tpu.memory_space<hbm>> -> memref<640xf32, #tpu.memory_space<hbm>>
      tpu.enqueue_dma source(%arg18 : memref<640xf32, #tpu.memory_space<vmem>>) target(%dma_start3A_151 : memref<640xf32, #tpu.memory_space<hbm>>) target_semaphore(%run_scoped3A_149 : memref<!tpu.dma_semaphore, #tpu.memory_space<semaphore_mem>>)
      %dma_wait3A_152 = tpu.memref_slice %arg9[%add3A_148] : memref<20480xf32, #tpu.memory_space<hbm>> -> memref<640xf32, #tpu.memory_space<hbm>>
      %dma_wait3A_153 = tpu.memref_slice %arg9[%add3A_148] : memref<20480xf32, #tpu.memory_space<hbm>> -> memref<640xf32, #tpu.memory_space<hbm>>
      tpu.wait_dma2 semaphore(%run_scoped3A_149 : memref<!tpu.dma_semaphore, #tpu.memory_space<semaphore_mem>>) src(%arg18 : memref<640xf32, #tpu.memory_space<vmem>>) dst(%dma_wait3A_153 : memref<640xf32, #tpu.memory_space<hbm>>)
      tpu.yield
    }) : () -> ()
    return
  }
}

module attributes {stable_mosaic.version = 14 : i64} {
  func.func @_tc_body(%arg0: i32, %arg1: memref<2x2048x128xf32, #tpu.memory_space<vmem>>, %arg2: memref<2x16x128xf32, #tpu.memory_space<vmem>>, %arg3: memref<128x128xf32, #tpu.memory_space<vmem>>, %arg4: memref<1x128xf32, #tpu.memory_space<vmem>>, %arg5: memref<2048x128xf32, #tpu.memory_space<vmem>>) attributes {dimension_semantics = [#tpu.dimension_semantics<arbitrary>], iteration_bounds = array<i64: 5>, scalar_prefetch = 0 : i64, scratch_operands = 0 : i64, tpu.core_type = #tpu.core_type<tc>, window_params = [{transform_indices = @transform_0, window_bounds = array<i64: 2, 2048, 128>}, {transform_indices = @transform_1, window_bounds = array<i64: 2, 16, 128>}, {pipeline_mode = #tpu.pipeline_mode<synchronous>, transform_indices = @transform_2, window_bounds = array<i64: 128, 128>}, {pipeline_mode = #tpu.pipeline_mode<synchronous>, transform_indices = @transform_3, window_bounds = array<i64: 1, 128>}, {transform_indices = @transform_4, window_bounds = array<i64: 2048, 128>}]} {
    %get3A = arith.constant 0 : index
    %get3A_0 = arith.constant 0 : index
    %get3A_1 = arith.constant 0 : index
    %get3A_2 = vector.load %arg1[%get3A, %get3A_0, %get3A_1] : memref<2x2048x128xf32, #tpu.memory_space<vmem>>, vector<1x2048x128xf32>
    %get3A_3 = vector.shape_cast %get3A_2 : vector<1x2048x128xf32> to vector<2048x128xf32>
    %get3A_4 = arith.constant 1 : index
    %get3A_5 = arith.constant 0 : index
    %get3A_6 = arith.constant 0 : index
    %get3A_7 = vector.load %arg1[%get3A_4, %get3A_5, %get3A_6] : memref<2x2048x128xf32, #tpu.memory_space<vmem>>, vector<1x2048x128xf32>
    %get3A_8 = vector.shape_cast %get3A_7 : vector<1x2048x128xf32> to vector<2048x128xf32>
    %add3A = arith.addf %get3A_3, %get3A_8 : vector<2048x128xf32>
    %get3A_9 = arith.constant 0 : index
    %get3A_10 = arith.constant 0 : index
    %get3A_11 = arith.constant 0 : index
    %get3A_12 = vector.load %arg2[%get3A_9, %get3A_10, %get3A_11] : memref<2x16x128xf32, #tpu.memory_space<vmem>>, vector<1x16x128xf32>
    %get3A_13 = vector.shape_cast %get3A_12 : vector<1x16x128xf32> to vector<16x128xf32>
    %get3A_14 = arith.constant 1 : index
    %get3A_15 = arith.constant 0 : index
    %get3A_16 = arith.constant 0 : index
    %get3A_17 = vector.load %arg2[%get3A_14, %get3A_15, %get3A_16] : memref<2x16x128xf32, #tpu.memory_space<vmem>>, vector<1x16x128xf32>
    %get3A_18 = vector.shape_cast %get3A_17 : vector<1x16x128xf32> to vector<16x128xf32>
    %add3A_19 = arith.addf %get3A_13, %get3A_18 : vector<16x128xf32>
    %iota3A = tpu.iota {dimensions = array<i32: 0>} : vector<2048x16xi32>
    %jit3A = arith.constant 128 : i32
    %div3A = vector.broadcast %jit3A : i32 to vector<2048x16xi32>
    %div3A_20 = arith.divsi %iota3A, %div3A : vector<2048x16xi32>
    %sign3A = arith.constant 0 : i32
    %sign3A_21 = vector.broadcast %sign3A : i32 to vector<2048x16xi32>
    %sign3A_22 = arith.cmpi sgt, %iota3A, %sign3A_21 : vector<2048x16xi32>
    %sign3A_23 = arith.extui %sign3A_22 : vector<2048x16xi1> to vector<2048x16xi32>
    %sign3A_24 = arith.constant 0 : i32
    %sign3A_25 = vector.broadcast %sign3A_24 : i32 to vector<2048x16xi32>
    %sign3A_26 = arith.cmpi slt, %iota3A, %sign3A_25 : vector<2048x16xi32>
    %sign3A_27 = arith.extui %sign3A_26 : vector<2048x16xi1> to vector<2048x16xi32>
    %sign3A_28 = arith.subi %sign3A_23, %sign3A_27 : vector<2048x16xi32>
    %sign3A_29 = arith.constant 0 : i32
    %sign3A_30 = arith.cmpi sgt, %jit3A, %sign3A_29 : i32
    %sign3A_31 = arith.extui %sign3A_30 : i1 to i32
    %sign3A_32 = arith.constant 0 : i32
    %sign3A_33 = arith.cmpi slt, %jit3A, %sign3A_32 : i32
    %sign3A_34 = arith.extui %sign3A_33 : i1 to i32
    %sign3A_35 = arith.subi %sign3A_31, %sign3A_34 : i32
    %ne3A = vector.broadcast %sign3A_35 : i32 to vector<2048x16xi32>
    %ne3A_36 = arith.cmpi ne, %sign3A_28, %ne3A : vector<2048x16xi32>
    %rem3A = vector.broadcast %jit3A : i32 to vector<2048x16xi32>
    %rem3A_37 = arith.remsi %iota3A, %rem3A : vector<2048x16xi32>
    %ne3A_38 = arith.constant 0 : i32
    %ne3A_39 = vector.broadcast %ne3A_38 : i32 to vector<2048x16xi32>
    %ne3A_40 = arith.cmpi ne, %rem3A_37, %ne3A_39 : vector<2048x16xi32>
    %and3A = arith.andi %ne3A_36, %ne3A_40 : vector<2048x16xi1>
    %sub3A = arith.constant 1 : i32
    %sub3A_41 = vector.broadcast %sub3A : i32 to vector<2048x16xi32>
    %sub3A_42 = arith.subi %div3A_20, %sub3A_41 : vector<2048x16xi32>
    %select_n3A = arith.select %and3A, %sub3A_42, %div3A_20 : vector<2048x16xi1>, vector<2048x16xi32>
    %iota3A_43 = tpu.iota {dimensions = array<i32: 1>} : vector<2048x16xi32>
    %eq3A = arith.cmpi eq, %select_n3A, %iota3A_43 : vector<2048x16xi32>
    %jit3A_44 = arith.constant 1.000000e+00 : f32
    %jit3A_45 = arith.constant 0.000000e+00 : f32
    %broadcast_in_dim3A = vector.broadcast %jit3A_44 : f32 to vector<2048x16xf32>
    %broadcast_in_dim3A_46 = vector.broadcast %jit3A_45 : f32 to vector<2048x16xf32>
    %select_n3A_47 = arith.select %eq3A, %broadcast_in_dim3A, %broadcast_in_dim3A_46 : vector<2048x16xi1>, vector<2048x16xf32>
    %dot_general3A = arith.constant dense<0.000000e+00> : vector<2048x128xf32>
    %dot_general3A_48 = tpu.matmul %select_n3A_47, %add3A_19, %dot_general3A {dimension_numbers = #tpu.dot_dimension_numbers<[1], [0], [0], [1], [0, 0, 1, 1], [], []>, transpose_lhs_hint = false} : vector<2048x16xf32>, vector<16x128xf32>, vector<2048x128xf32> -> vector<2048x128xf32>
    %iota3A_49 = tpu.iota {dimensions = array<i32: 0>} : vector<2048x128xi32>
    %jit3A_50 = arith.constant 128 : i32
    %eq3A_51 = arith.constant 0 : i32
    %eq3A_52 = arith.cmpi eq, %jit3A_50, %eq3A_51 : i32
    %jit3A_53 = arith.constant 1 : i32
    %select_n3A_54 = arith.select %eq3A_52, %jit3A_53, %jit3A_50 : i32
    %rem3A_55 = vector.broadcast %select_n3A_54 : i32 to vector<2048x128xi32>
    %rem3A_56 = arith.remsi %iota3A_49, %rem3A_55 : vector<2048x128xi32>
    %ne3A_57 = arith.constant 0 : i32
    %ne3A_58 = vector.broadcast %ne3A_57 : i32 to vector<2048x128xi32>
    %ne3A_59 = arith.cmpi ne, %rem3A_56, %ne3A_58 : vector<2048x128xi32>
    %lt3A = arith.constant 0 : i32
    %lt3A_60 = vector.broadcast %lt3A : i32 to vector<2048x128xi32>
    %lt3A_61 = arith.cmpi slt, %rem3A_56, %lt3A_60 : vector<2048x128xi32>
    %lt3A_62 = arith.constant 0 : i32
    %lt3A_63 = arith.cmpi slt, %select_n3A_54, %lt3A_62 : i32
    %ne3A_64 = vector.broadcast %lt3A_63 : i1 to vector<2048x128xi1>
    %ne3A_65 = vector.broadcast %ne3A_64 : vector<2048x128xi1> to vector<2048x128xi1>
    %ne3A_66 = arith.xori %lt3A_61, %ne3A_65 : vector<2048x128xi1>
    %and3A_67 = arith.andi %ne3A_66, %ne3A_59 : vector<2048x128xi1>
    %add3A_68 = vector.broadcast %select_n3A_54 : i32 to vector<2048x128xi32>
    %add3A_69 = arith.addi %rem3A_56, %add3A_68 : vector<2048x128xi32>
    %select_n3A_70 = arith.select %and3A_67, %add3A_69, %rem3A_56 : vector<2048x128xi1>, vector<2048x128xi32>
    %iota3A_71 = tpu.iota {dimensions = array<i32: 1>} : vector<2048x128xi32>
    %eq3A_72 = arith.cmpi eq, %iota3A_71, %select_n3A_70 : vector<2048x128xi32>
    %jit3A_73 = arith.constant 0.000000e+00 : f32
    %broadcast_in_dim3A_74 = vector.broadcast %jit3A_73 : f32 to vector<2048x128xf32>
    %select_n3A_75 = arith.select %eq3A_72, %dot_general3A_48, %broadcast_in_dim3A_74 : vector<2048x128xi1>, vector<2048x128xf32>
    %reduce_sum3A = arith.constant dense<0.000000e+00> : vector<2048xf32>
    %reduce_sum3A_76 = vector.multi_reduction <add>, %select_n3A_75, %reduce_sum3A [1] : vector<2048x128xf32> to vector<2048xf32>
    %broadcast_in_dim3A_77 = vector.shape_cast %reduce_sum3A_76 : vector<2048xf32> to vector<2048x1xf32>
    %max3A = arith.constant 1.000000e+00 : f32
    %max3A_78 = vector.broadcast %max3A : f32 to vector<2048x1xf32>
    %max3A_79 = arith.maximumf %broadcast_in_dim3A_77, %max3A_78 : vector<2048x1xf32>
    %div3A_80 = vector.broadcast %max3A_79 : vector<2048x1xf32> to vector<2048x128xf32>
    %div3A_81 = arith.divf %add3A, %div3A_80 : vector<2048x128xf32>
    %get3A_82 = arith.constant 0 : index
    %get3A_83 = arith.constant 0 : index
    %get3A_84 = vector.load %arg3[%get3A_82, %get3A_83] : memref<128x128xf32, #tpu.memory_space<vmem>>, vector<128x128xf32>
    %dot_general3A_85 = arith.constant dense<0.000000e+00> : vector<2048x128xf32>
    %dot_general3A_86 = tpu.matmul %div3A_81, %get3A_84, %dot_general3A_85 {dimension_numbers = #tpu.dot_dimension_numbers<[1], [1], [0], [0], [0, 0, 1, 0], [], []>, transpose_lhs_hint = false} : vector<2048x128xf32>, vector<128x128xf32>, vector<2048x128xf32> -> vector<2048x128xf32>
    %get3A_87 = arith.constant 0 : index
    %get3A_88 = arith.constant 0 : index
    %get3A_89 = vector.load %arg4[%get3A_87, %get3A_88] : memref<1x128xf32, #tpu.memory_space<vmem>>, vector<1x128xf32>
    %add3A_90 = vector.broadcast %get3A_89 : vector<1x128xf32> to vector<2048x128xf32>
    %add3A_91 = arith.addf %dot_general3A_86, %add3A_90 : vector<2048x128xf32>
    %max3A_92 = arith.constant 0.000000e+00 : f32
    %max3A_93 = vector.broadcast %max3A_92 : f32 to vector<2048x128xf32>
    %max3A_94 = arith.maximumf %add3A_91, %max3A_93 : vector<2048x128xf32>
    %swap3A = arith.constant 0 : index
    %swap3A_95 = arith.constant 0 : index
    %swap3A_96 = vector.load %arg5[%swap3A, %swap3A_95] : memref<2048x128xf32, #tpu.memory_space<vmem>>, vector<2048x128xf32>
    tpu.vector_store %arg5[%swap3A, %swap3A_95], %max3A_94 {strides = array<i32>} : memref<2048x128xf32, #tpu.memory_space<vmem>>, vector<2048x128xf32>,
    return
  }
  func.func @transform_0(%arg0: i32) -> (i32, i32, i32) {
    %c0_i32 = arith.constant 0 : i32
    %c0_i32_0 = arith.constant 0 : i32
    %c0_i32_1 = arith.constant 0 : i32
    return %c0_i32, %arg0, %c0_i32_0 : i32, i32, i32
  }
  func.func @transform_1(%arg0: i32) -> (i32, i32, i32) {
    %c0_i32 = arith.constant 0 : i32
    %c0_i32_0 = arith.constant 0 : i32
    %c0_i32_1 = arith.constant 0 : i32
    return %c0_i32, %arg0, %c0_i32_0 : i32, i32, i32
  }
  func.func @transform_2(%arg0: i32) -> (i32, i32) {
    %c0_i32 = arith.constant 0 : i32
    %c0_i32_0 = arith.constant 0 : i32
    %c0_i32_1 = arith.constant 0 : i32
    return %c0_i32, %c0_i32_0 : i32, i32
  }
  func.func @transform_3(%arg0: i32) -> (i32, i32) {
    %c0_i32 = arith.constant 0 : i32
    %c0_i32_0 = arith.constant 0 : i32
    %c0_i32_1 = arith.constant 0 : i32
    return %c0_i32, %c0_i32_0 : i32, i32
  }
  func.func @transform_4(%arg0: i32) -> (i32, i32) {
    %c0_i32 = arith.constant 0 : i32
    %c0_i32_0 = arith.constant 0 : i32
    return %arg0, %c0_i32 : i32, i32
  }
}

</mosaic_0001>

<sc_bundles>
// kernel: _run.4.cloned.1.call-start
scs
__scs_entry_jumppad:
0x0: {  	(pc) =	sbr.rel $0x88, $3  }
0x1: {  	(tag) =	ssettag $0x0;
	lr =	simm.s32 $0x1  }
0x2: {  	[smem:$0x3F9D] =	sst lr;
	_ =	strace $0xD0000000  }
0x3: {  	_ = 	snop  }
0x4: {  	_ = 	snop  }
0x5: {  	_ = 	snop  }
0x6: {  	_ = 	snop  }
0x7: {  	_ = 	snop  }
__scs_overlays_trampoline_lowered:
0x8: {  	[smem:$0x3FAC] =	sst s0  }
0x9: {  	[smem:$0x3FAD] =	sst s1  }
0xa: {  	[smem:$0x3FAE] =	sst s2  }
0xb: {  	[smem:$0x3FAF] =	sst s3  }
0xc: {  	[smem:$0x3FB0] =	sst s4  }
0xd: {  	[smem:$0x3FB1] =	sst s5  }
0xe: {  	[smem:$0x3FB2] =	sst s6  }
0xf: {  	[smem:$0x3FB3] =	sst s7  }
0x10: {  	[smem:$0x3FB4] =	sst s8  }
0x11: {  	[smem:$0x3FB5] =	sst s9;
	s0 =	simm.s32 @!p0 $0x0  }
0x12: {  	s1 =	sld [smem:$0x3F9B];
	s0 =	simm.s32 @p0 $0x1  }
0x13: {  	[smem:$0x3FB6] =	sst s0;
	s0 =	simm.s32 @!p1 $0x0  }
0x14: {  	s2 =	sld [smem:$0x3F9A];
	s0 =	simm.s32 @p1 $0x1  }
0x15: {  	[smem:$0x3FB7] =	sst s0;
	s0 =	simm.s32 @!p2 $0x0  }
0x16: {  	s3 =	sld [smem:$0x3FDB];
	s0 =	simm.s32 @p2 $0x1  }
0x17: {  	s4 =	simm.s32 $0x1BF5;
	[smem:$0x3FB9] =	sst s0  }
0x18: {  	s0 =	sld [smem:$0x3F9C];
	_ =	swait.ge [sflag:s4], $0x0  }
0x19: {  	s7 =	sld [smem:$0x3F9D]  }
0x1a: {  	s8 =	sadd.s32 $0xFFFFE003, lr  }
0x1b: {  	s9 =	sadd.s32 $0xFFFFFEF7, lr;
	s5 =	simm.s32 $0xFFFFFFFF;
	p2 =	slt.u32 s8, $0xFFFFF086  }
0x1c: {  	p1 =	slt.u32 s9, $0xF7A;
	s5 =	simm.s32 @!p2 $0x0  }
0x1d: {  	s5 =	simm.s32 @p1 $0x1;
	p0 =	seq.s32 s7, s2  }
0x1e: {  	s7 =	smul.u32 @!p0 $0xF7A, s2;
	p2 =	seq.s32 @!p0 s5, $0x0  }
0x1f: {  	s9 =	smul.u32 $0xF7A, s1;
	s8 =	simm.s32 @!p0 $0x1BF5;
	p2 =	por !p2, p0  }
0x20: {  	[sflag:s8] =	ssyncset.s32 @!p0 $0xFFFFF086;
	s6 =	sadd.s32 @!p0 s3, s7;
	s7 =	simm.s32 @!p0 $0x108  }
0x21: {  	s3 =	sadd.s32 s3, s9;
	s6 =	sadd.s32 @!p0 $0x88, s6;
	s7 =	simm.s32 @p2 $0x1082  }
0x22: {  	[simem:s7], [sflag:s8] =	dma.local @!p0 [hbm:s6], $0xF7A  }
0x23: {  	s9 =	sor.u32 $0xD0000000, s2;
	s6 =	simm.s32 $0x108;
	_ =	swait.ge @!p0 [sflag:s8], $0x0  }
0x24: {  	s3 =	sadd.s32 $0x88, s3;
	s6 =	simm.s32 @!p1 $0x1082;
	[sflag:s4] =	ssyncset.s32 $0xFFFFF086  }
0x25: {  	[simem:s6], [sflag:s4] =	dma.local [hbm:s3], $0xF7A  }
0x26: {  	[smem:$0x3F9D] =	sst s1;
	(tag) =	ssettag s2;
	_ =	strace s9  }
0x27: {  	s1 =	sld [smem:$0x3FAD]  }
0x28: {  	s2 =	sld [smem:$0x3FAE]  }
0x29: {  	s4 =	sld [smem:$0x3FB0]  }
0x2a: {  	p0 =	seq.s32 s5, $0x0;
	s5 =	sld [smem:$0x3FB1]  }
0x2b: {  	s6 =	sld [smem:$0x3FB2]  }
0x2c: {  	s7 =	sld [smem:$0x3FB3]  }
0x2d: {  	s3 =	simm.s32 $0x108;
	s8 =	sld [smem:$0x3FB4]  }
0x2e: {  	s3 =	simm.s32 @!p0 $0x1082;
	s9 =	sld [smem:$0x3FB5]  }
0x2f: {  	lr =	sadd.s32 s0, s3;
	s0 =	sld [smem:$0x3FAC]  }
0x30: {  	s3 =	sld [smem:$0x3FAF]  }
0x31: {  	[smem:$0x3FB8] =	sst s10  }
0x32: {  	s10 =	sld [smem:$0x3FB6];
	_ =	sdelay $0x3  }
0x33: {  	p0 =	seq.s32 s10, $0x1;
	s10 =	sld [smem:$0x3FB8];
	_ =	sdelay $0x3  }
0x34: {  	[smem:$0x3FB8] =	sst s10  }
0x35: {  	s10 =	sld [smem:$0x3FB7];
	_ =	sdelay $0x3  }
0x36: {  	p1 =	seq.s32 s10, $0x1;
	s10 =	sld [smem:$0x3FB8];
	_ =	sdelay $0x3  }
0x37: {  	[smem:$0x3FB8] =	sst s10  }
0x38: {  	s10 =	sld [smem:$0x3FB9]  }
0x39: {  	_ = 	snop;
	(pc) =	sbr.ind lr, $3  }
0x3a: {  	_ = 	snop  }
0x3b: {  	_ = 	snop  }
0x3c: {  	p2 =	seq.s32 s10, $0x1;
	s10 =	sld [smem:$0x3FB8]  }
0x3d: {  	_ =	shalt  }
0x3e: {  	_ =	shalt  }
0x3f: {  	_ =	shalt  }
0x40: {  	_ =	shalt  }
0x41: {  	_ =	shalt  }
0x42: {  	_ =	shalt  }
0x43: {  	_ =	shalt  }
0x44: {  	_ =	shalt  }
0x45: {  	_ =	shalt  }
0x46: {  	_ =	shalt  }
0x47: {  	_ =	shalt  }
0x48: {  	_ =	shalt  }
0x49: {  	_ =	shalt  }
0x4a: {  	_ =	shalt  }
0x4b: {  	_ =	shalt  }
0x4c: {  	_ =	shalt  }
0x4d: {  	_ =	shalt  }
0x4e: {  	_ =	shalt  }
0x4f: {  	_ =	shalt  }
0x50: {  	_ =	shalt  }
0x51: {  	_ =	shalt  }
0x52: {  	_ =	shalt  }
0x53: {  	_ =	shalt  }
0x54: {  	_ =	shalt  }
0x55: {  	_ =	shalt  }
0x56: {  	_ =	shalt  }
0x57: {  	_ =	shalt  }
0x58: {  	_ =	shalt  }
0x59: {  	_ =	shalt  }
0x5a: {  	_ =	shalt  }
0x5b: {  	_ =	shalt  }
0x5c: {  	_ =	shalt  }
0x5d: {  	_ =	shalt  }
0x5e: {  	_ =	shalt  }
0x5f: {  	_ =	shalt  }
0x60: {  	_ =	shalt  }
0x61: {  	_ =	shalt  }
0x62: {  	_ =	shalt  }
0x63: {  	_ =	shalt  }
0x64: {  	_ =	shalt  }
0x65: {  	_ =	shalt  }
0x66: {  	_ =	shalt  }
0x67: {  	_ =	shalt  }
0x68: {  	_ =	shalt  }
0x69: {  	_ =	shalt  }
0x6a: {  	_ =	shalt  }
0x6b: {  	_ =	shalt  }
0x6c: {  	_ =	shalt  }
0x6d: {  	_ =	shalt  }
0x6e: {  	_ =	shalt  }
0x6f: {  	_ =	shalt  }
0x70: {  	_ =	shalt  }
0x71: {  	_ =	shalt  }
0x72: {  	_ =	shalt  }
0x73: {  	_ =	shalt  }
0x74: {  	_ =	shalt  }
0x75: {  	_ =	shalt  }
0x76: {  	_ =	shalt  }
0x77: {  	_ =	shalt  }
0x78: {  	_ =	shalt  }
0x79: {  	_ =	shalt  }
0x7a: {  	_ =	shalt  }
0x7b: {  	_ =	shalt  }
0x7c: {  	_ =	shalt  }
0x7d: {  	_ =	shalt  }
0x7e: {  	_ =	shalt  }
0x7f: {  	_ =	shalt  }
0x80: {  	_ =	shalt  }
0x81: {  	_ =	shalt  }
0x82: {  	_ =	shalt  }
0x83: {  	_ =	shalt  }
0x84: {  	_ =	shalt  }
0x85: {  	_ =	shalt  }
0x86: {  	_ =	shalt  }
0x87: {  	_ =	shalt  }
.Lfunc_end0:
.L_simem_size_0:
called_computation_lowered:
.L_overlay_start_0:
0x88: {  	s2 =	sld [smem:$0x3FD9]  }
0x89: {  	s3 =	sld [smem:$0x3FFE];
	_ =	sdelay $0x1  }
0x8a: {  	s1 =	srdreg.scid  }
0x8b: {  	s0 =	sand.u32 $0x1, s1  }
0x8c: {  	s17 =	sshll.u32 s0, $0xA;
	s2 =	sadd.s32 s3, s2  }
0x8d: {  	s2 =	sadd.s32 s2, s17  }
0x8e: {  	[smem:$0x3FC4] =	sst s2  }
0x8f: {  	_ = 	snop  }
0x90: {  	s2 =	sld [smem:$0x3FC9]  }
0x91: {  	s18 =	sld [smem:$0x3FD0];
	(tm) =	ssettm $0x1  }
0x92: {  	s4 =	sld [smem:$0x3FFB];
	_ =	sdelay $0x3  }
0x93: {  	_ =	strace s4  }
0x94: {  	s4 =	sld [smem:$0x3FFC];
	_ =	sdelay $0x3  }
0x95: {  	_ =	strace s4  }
0x96: {  	s4 =	sld [smem:$0x3FFD];
	_ =	sdelay $0x3  }
0x97: {  	_ =	strace s4  }
0x98: {  	_ =	strace $0x8FFFFFFF  }
0x99: {  	s19 =	sld [smem:$0x3FDB];
	_ =	sdelay $0x1  }
0x9a: {  	s5 =	simm.s32 $_scs_section_size  }
0x9b: {  	s6 =	simm.s32 $_size__tile_overlayer_lowered;
	s7 =	simm.s32 $_tile_overlayer_lowered  }
0x9c: {  	s22 =	simm.s32 $0x1BFF;
	s21 =	sshll.u32 s7, $0x1;
	s4 =	sadd.s32 s5, s19  }
0x9d: {  	s8 =	simm.s32 $0x0;
	s20 =	sshll.u32 s6, $0x1;
	s6 =	sadd.s32 s21, s4  }
0x9e: {  	[timem:s8], [sflag:s22] =	dma.local [hbm:s6], s20  }
0x9f: {  	_ =	swait.ge [sflag:s22], s20  }
0xa0: {  	s5 =	ssub.s32 $0x0, s20;
	[sflag:s22] =	ssyncset.done $0x0  }
0xa1: {  	[sflag:s22] =	ssyncadd.s32 s5;
	_ =	sdelay $0x1  }
0xa2: {  	s23 =	simm.s32 $0x1B8B  }
0xa3: {  	_ =	swait.ge [sflag:s23], $0x1  }
0xa4: {  	[sflag:s23] =	ssyncset.done $0x0  }
0xa5: {  	s25 =	simm.s32 $0x1B8E;
	s24 =	sld [smem:$0x3FFE];
	[sflag:s23] =	ssyncadd.s32 $0xFFFFFFFF  }
0xa6: {  	s26 =	simm.s32 $execute0_lowered;
	[smem:$0x3FD2] =	sst s25  }
0xa7: {  	s6 =	sshll.u32 s26, $0x1;
	_ =	strace $0x80000046;
	[dreg:$0x1] =	wrdreg $0xFFFFFFFF  }
0xa8: {  	s28 =	simm.s32 $_size_execute0_lowered;
	s4 =	sadd.s32 s4, s6;
	[dreg:$0x0] =	wrdreg $0x0  }
0xa9: {  	s6 =	sshll.u32 s28, $0x1;
	[dreg:$0x2] =	wrdreg s4  }
0xaa: {  	[dreg:$0x3] =	wrdreg s6  }
0xab: {  	[dreg:$0x4] =	wrdreg $0xC0  }
0xac: {  	_ =	task [dreg:s8], $0x5FFFF  }
0xad: {  	[dreg:$0x1] =	wrdreg $0xFFFFFFFF  }
0xae: {  	[dreg:$0x0] =	wrdreg $0x60  }
0xaf: {  	[dreg:$0x2] =	wrdreg s2  }
0xb0: {  	[dreg:$0x3] =	wrdreg s18  }
0xb1: {  	[dreg:$0x4] =	wrdreg s24  }
0xb2: {  	[dreg:$0x5] =	wrdreg $0x0  }
0xb3: {  	[dreg:$0x6] =	wrdreg $0x140000  }
0xb4: {  	[dreg:$0x7] =	wrdreg $0x9  }
0xb5: {  	_ =	task.clear_ibuf [dreg:s8], $0x8FFFF;
	_ =	strace $0x90000046  }
0xb6: {  	s29 =	simm.s32 $0x9;
	_ =	strace $0x80000048  }
0xb7: {  	_ =	swait.ge [sflag:s29], $0x1  }
0xb8: {  	[sflag:s29] =	ssyncadd.s32 $0xFFFFFFFF  }
0xb9: {  	_ =	strace $0x90000048  }
0xba: {  	_ =	sfence  }
0xbb: {  	s30 =	sld [smem:$0x0];
	_ =	sdelay $0x2  }
0xbc: {  	s31 =	sshll.u32 s1, $0xD;
	s1 =	sshrl.u32 s1, $0x2  }
0xbd: {  	s3 =	sand.u32 $0x4000, s31;
	s1 =	sadd.s32 s1, s30  }
0xbe: {  	s0 =	sor.u32 s3, s0;
	s1 =	sshll.u32 s1, $0x11  }
0xbf: {  	s0 =	sor.u32 s1, s0  }
0xc0: {  	s0 =	sadd.s32 $0x8F2B, s0  }
0xc1: {  	[sflag:s0] =	ssyncadd.remote.s32 $0x1  }
0xc2: {  	_ =	sfence.sel $0xFFFF  }
0xc3: {  	[dreg:$0x0] =	wrdreg $0xFFFFFFFF;
	(pc) =	sbr.abs _section_cstart, $3  }
0xc4: {  	[dreg:$0x1] =	wrdreg $0xFFFFFFFF  }
0xc5: {  	_ =	task.clear_ibuf [dreg:s8], $0x2FFFF;
	_ =	strace $0x9FFFFFFF  }
0xc6: {  	(tm) =	ssettm $0x7FFFFFFF  }
0xc7: {  	_ =	shalt  }
tec
execute0_lowered:
.L_overlay_start_1:
0x0: {  	(tag) =	ssettag $0x1  }
0x1: {  	s3 =	rddreg [dreg:$0x0];
	s0 =	srdreg.scid  }
0x2: {  	s16 =	stileid.u32;
	s4 =	rddreg [dreg:$0x1]  }
0x3: {  	s5 =	sand.u32 $0x1, s0;
	s1 =	sshll.u32 s16, $0x1;
	s0 =	rddreg [dreg:$0x2]  }
0x4: {  	s12 =	sshll.u32 s16, $0x7;
	s21 =	sshll.u32 s16, $0xB;
	s10 =	smul.u32 $0x140000, s5  }
0x5: {  	s6 =	sor.u32 s5, s1;
	s7 =	sadd.s32 $0x1600, s0;
	s11 =	smul.u32 $0x2800, s5  }
0x6: {  	s17 =	ssub.s32 $0x2, s5;
	s9 =	sadd.s32 $0x29600, s0;
	s5 =	smul.u32 $0x27100, s5  }
0x7: {  	s14 =	sor.u32 $0x800, s12;
	s15 =	sor.u32 $0x1000, s12;
	s8 =	smul.u32 $0x500, s6  }
0x8: {  	s24 =	sor.u32 $0x1800, s12;
	s12 =	sor.u32 $0x2000, s12;
	s18 =	smul.u32 $0x27100, s6  }
0x9: {  	s2 =	sshrl.u32 s17, $0x1;
	s13 =	smul.u32 $0x138800, s6;
	s22 =	sshll.u32 s14, $0x4  }
0xa: {  	s23 =	sshll.u32 s15, $0x4;
	s15 =	sshll.u32 s15, $0x7;
	s19 =	sshll.u32 s24, $0x7  }
0xb: {  	s25 =	sshll.u32 s12, $0x4;
	s1 =	ssub.s32 s17, s2;
	s2 =	sshll.u32 s16, $0xE  }
0xc: {  	s17 =	sshll.u32 s14, $0x7;
	s4 =	sadd.s32 s4, s8;
	s20 =	sor.u32 s10, s2  }
0xd: {  	s14 =	sadd.s32 s10, s17;
	[dreg:$0x6] =	wrdreg s4;
	s8 =	sshrl.u32 s20, $0x3  }
0xe: {  	s26 =	sshrl.u32 s14, $0x3;
	s4 =	sadd.s32 s3, s18;
	s14 =	rddreg [dreg:$0x3]  }
0xf: {  	s28 =	sadd.s32 s10, s15;
	s8 =	sadd.s32 s9, s8;
	[dreg:$0x11] =	wrdreg s4  }
0x10: {  	s29 =	sadd.s32 s10, s19;
	s18 =	sadd.s32 $0x1400, s0;
	[dreg:$0x7] =	wrdreg s8  }
0x11: {  	s8 =	sadd.s32 s7, s21;
	s21 =	sshll.u32 s12, $0x7;
	s12 =	simm.s32 $0x0  }
0x12: {  	[dreg:$0x8] =	wrdreg s8;
	s8 =	sadd.s32 s7, s22;
	s10 =	sadd.s32 s10, s21  }
0x13: {  	[dreg:$0x9] =	wrdreg s8;
	s8 =	sadd.s32 s7, s23;
	s31 =	sshrl.u32 s10, $0x3  }
0x14: {  	s10 =	smul.u32 $0x280, s16;
	[dreg:$0xa] =	wrdreg s8;
	s8 =	sshll.u32 s24, $0x4  }
0x15: {  	[smem:$0x7FF] =	sst s12;
	s8 =	sadd.s32 s7, s8;
	s7 =	sadd.s32 s7, s25  }
0x16: {  	s11 =	sadd.s32 s10, s11;
	s25 =	smax.u32 s1, $0x1;
	[dreg:$0xb] =	wrdreg s8  }
0x17: {  	s1 =	simm.s32 $0x1F300;
	[dreg:$0xc] =	wrdreg s7;
	s7 =	sadd.s32 s9, s26  }
0x18: {  	s8 =	sshrl.u32 s29, $0x3;
	s4 =	sshrl.u32 s11, $0x3;
	s26 =	sadd.s32 s2, s14  }
0x19: {  	s29 =	sadd.s32 s15, s14;
	s15 =	simm.s32 $0x1F400;
	s11 =	simm.s32 $0x18280  }
0x1a: {  	[dreg:$0xd] =	wrdreg s7;
	s7 =	sshrl.u32 s28, $0x3;
	s30 =	sadd.s32 s9, s8  }
0x1b: {  	s8 =	smul.u32 $0x4E200, s16;
	s16 =	rddreg [dreg:$0x4];
	s4 =	sadd.s32 s4, s0  }
0x1c: {  	s28 =	sadd.s32 s17, s14;
	s7 =	sadd.s32 s9, s7;
	[dreg:$0xf] =	wrdreg s30  }
0x1d: {  	s24 =	sadd.s32 $0x79600, s4;
	[dreg:$0xe] =	wrdreg s7;
	s7 =	sadd.s32 s9, s31  }
0x1e: {  	s30 =	sadd.s32 s19, s14;
	s4 =	simm.s32 $0x1F280;
	[dreg:$0x10] =	wrdreg s7  }
0x1f: {  	s19 =	simm.s32 $0x5;
	_ =	strace $0x80000047;
	[dreg:$0x12] =	wrdreg s18  }
0x20: {  	s9 =	sshrl.u32 s13, $0x3;
	s13 =	sshll.u32 s6, $0x4;
	[dreg:$0x16] =	wrdreg s24  }
0x21: {  	s31 =	sadd.s32 s21, s14;
	s6 =	simm.s32 $0x1F380;
	[dreg:$0x17] =	wrdreg s25  }
0x22: {  	s21 =	simm.s32 $0x0;
	s7 =	sadd.s32 s3, s9;
	[dreg:$0x18] =	wrdreg s26  }
0x23: {  	s3 =	sadd.s32 s8, s3;
	s8 =	simm.s32 $0x80;
	[dreg:$0x19] =	wrdreg s28  }
0x24: {  	s9 =	simm.s32 $0x3;
	s3 =	sadd.s32 s5, s3;
	[dreg:$0x1a] =	wrdreg s29  }
0x25: {  	s5 =	sadd.s32 s13, s0;
	s18 =	sadd.s32 $0x1200, s0;
	[dreg:$0x1b] =	wrdreg s30  }
0x26: {  	s22 =	sadd.s32 $0x800, s7;
	s23 =	sadd.s32 $0x27000, s7;
	[dreg:$0x1c] =	wrdreg s31  }
0x27: {  	s0 =	simm.s32 $0x6;
	s7 =	simm.s32 $0x1;
	[dreg:$0x14] =	wrdreg s22  }
0x28: {  	s20 =	sadd.s32 $0x1000, s5;
	[dreg:$0x15] =	wrdreg s23;
	s2 =	sadd.s32 $0x1000, s3  }
0x29: {  	[dreg:$0x13] =	wrdreg s20;
	s20 =	sadd.s32 s10, s16;
	s10 =	simm.s32 $0x2  }
.LBB2_1:
0x2a: {  	s3 =	rddreg [dreg:$0x12]  }
0x2b: {  	[tilespmem:s15], [sflag:$0x6] =	stream.linear.gather [hbm4b:s3+s12], $0x280, $0x38;
	[tilespmem:$0x1F680] =	vst v63  }
0x2c: {  	_ =	swait.ge [sflag:s0], $0x280  }
0x2d: {  	[sflag:s0] =	ssyncset.done $0x0  }
0x2e: {  	[sflag:s0] =	ssyncadd.s32 $0xFFFFFD80  }
0x2f: {  	[tilespmem:s1], [sflag:$0x6] =	stream.linear.gather [hbm4b:s18+s12], $0x80, $0x38;
	[tilespmem:$0x1F680] =	vst v63  }
0x30: {  	_ =	swait.ge [sflag:s0], $0x80  }
0x31: {  	[sflag:s0] =	ssyncset.done $0x0  }
0x32: {  	[sflag:s0] =	ssyncadd.s32 $0xFFFFFF80  }
0x33: {  	[tilespmem:s6], [sflag:$0x6] =	stream.linear.gather [hbm4b:s18+s12], $0x10, $0x38;
	[tilespmem:$0x1F680] =	vst v63  }
0x34: {  	_ =	swait.ge [sflag:s0], $0x10  }
0x35: {  	[sflag:s0] =	ssyncset.done $0x0  }
0x36: {  	s6 =	simm.s32 $0x1C280;
	s17 =	rddreg [dreg:$0x6];
	[sflag:s0] =	ssyncadd.s32 $0xFFFFFFF0  }
0x37: {  	[tilespmem:s6], [sflag:$0x6] =	stream.linear.gather [hbm4b:s17+s12], $0x2700, $0x38;
	[tilespmem:$0x1F680] =	vst v63  }
0x38: {  	_ =	swait.ge [sflag:s0], $0x2700  }
0x39: {  	[sflag:s0] =	ssyncset.done $0x0  }
0x3a: {  	s23 =	stileid.u32;
	s22 =	rddreg [dreg:$0x13];
	[sflag:s0] =	ssyncadd.s32 $0xFFFFD900  }
0x3b: {  	[tilespmem:s4], [sflag:$0x6] =	stream.linear.gather [hbm4b:s22+s12], $0x80, $0x38;
	[tilespmem:$0x1F680] =	vst v63  }
0x3c: {  	s5 =	sshll.u32 s23, $0x6;
	_ =	swait.ge [sflag:s0], $0x80  }
0x3d: {  	s22 =	sor.u32 $0x1C06, s5;
	[sflag:s0] =	ssyncset.done $0x0;
	s24 =	rddreg [dreg:$0x18]  }
0x3e: {  	s25 =	rddreg [dreg:$0x8];
	[sflag:s0] =	ssyncadd.s32 $0xFFFFFF80;
	s23 =	sshrl.u32 s24, $0x3  }
0x3f: {  	[spmem:s23], [sflag:s22] =	dma.local [hbm:s25], $0x800  }
0x40: {  	_ =	swait.ge [sflag:s0], $0x800  }
0x41: {  	[sflag:s0] =	ssyncset.done $0x0;
	s26 =	rddreg [dreg:$0x19]  }
0x42: {  	s5 =	rddreg [dreg:$0x9];
	[sflag:s0] =	ssyncadd.s32 $0xFFFFF800;
	s24 =	sshrl.u32 s26, $0x3  }
0x43: {  	[spmem:s24], [sflag:s22] =	dma.local [hbm:s5], $0x800  }
0x44: {  	_ =	swait.ge [sflag:s0], $0x800  }
0x45: {  	[sflag:s0] =	ssyncset.done $0x0;
	s13 =	rddreg [dreg:$0x1a]  }
0x46: {  	s17 =	rddreg [dreg:$0xa];
	[sflag:s0] =	ssyncadd.s32 $0xFFFFF800;
	s25 =	sshrl.u32 s13, $0x3  }
0x47: {  	[spmem:s25], [sflag:s22] =	dma.local [hbm:s17], $0x800  }
0x48: {  	_ =	swait.ge [sflag:s0], $0x800  }
0x49: {  	[sflag:s0] =	ssyncset.done $0x0;
	s26 =	rddreg [dreg:$0x1b]  }
0x4a: {  	s5 =	rddreg [dreg:$0xb];
	[sflag:s0] =	ssyncadd.s32 $0xFFFFF800;
	s26 =	sshrl.u32 s26, $0x3  }
0x4b: {  	[spmem:s26], [sflag:s22] =	dma.local [hbm:s5], $0x800  }
0x4c: {  	_ =	swait.ge [sflag:s0], $0x800  }
0x4d: {  	[sflag:s0] =	ssyncset.done $0x0;
	s13 =	rddreg [dreg:$0x1c]  }
0x4e: {  	s17 =	rddreg [dreg:$0xc];
	[sflag:s0] =	ssyncadd.s32 $0xFFFFF800;
	s28 =	sshrl.u32 s13, $0x3  }
0x4f: {  	[spmem:s28], [sflag:s22] =	dma.local [hbm:s17], $0x800  }
0x50: {  	_ =	swait.ge [sflag:s0], $0x800  }
0x51: {  	[sflag:s0] =	ssyncset.done $0x0  }
0x52: {  	[sflag:s0] =	ssyncadd.s32 $0xFFFFF800  }
0x53: {  	[spmem:s20] =	stream.linear.scatter [tilespmem:s15], [sflag:$0x6], $0x280, $0x38;
	[tilespmem:$0x1F680] =	vst v63  }
0x54: {  	_ =	swait.ge [sflag:s0], $0x280  }
0x55: {  	[sflag:s0] =	ssyncset.done $0x0  }
0x56: {  	[sflag:s0] =	ssyncadd.s32 $0xFFFFFD80  }
0x57: {  	[bflag:$0x0] =	sbarrier.arrive $0xFFFF  }
0x58: {  	s13 =	simm.s32 $0x14280;
	s5 =	rddreg [dreg:$0x11]  }
0x59: {  	[tilespmem:s13], [sflag:$0x1] =	stream.linear.gather [hbm4b:s5+s12], $0x4000, $0x38;
	[tilespmem:$0x1F680] =	vst v63  }
0x5a: {  	s17 =	rddreg [dreg:$0x14]  }
0x5b: {  	[tilespmem:s11], [sflag:$0x2] =	stream.linear.gather [hbm4b:s17+s12], $0x4000, $0x38;
	[tilespmem:$0x1F680] =	vst v63  }
0x5c: {  	_ =	swait.ge [sflag:s7], $0x4000  }
0x5d: {  	[sflag:s7] =	ssyncset.done $0x0  }
0x5e: {  	[sflag:s7] =	ssyncadd.s32 $0xFFFFC000  }
0x5f: {  	[spmem:s14] =	stream.indirect.scatter.add.f32 [tilespmem:s13], [sflag:$0x3], $0x80, s6, s8, $0xb8;
	[tilespmem:$0x1F680] =	vst v63  }
0x60: {  	s13 =	sand.u32 $0x1, s10  }
0x61: {  	s31 =	simm.s32 $0x1;
	s29 =	sadd.s32 $0x3, s13  }
0x62: {  	[spmem:s16] =	stream.indirect.scatter.add.f32 [tilespmem:s1], [sflag:$0x5], $0x1, s6, s8, $0xb8;
	[tilespmem:$0x1F680] =	vst v63  }
0x63: {  	s31 =	sand.u32 $0x1, s31;
	_ =	swait.ge [sflag:s29], $0x4000  }
0x64: {  	s17 =	sadd.s32 $0x1, s31;
	s30 =	sshll.u32 s13, $0xE;
	[sflag:s29] =	ssyncset.done $0x0  }
0x65: {  	s5 =	sadd.s32 $0x1, s13;
	s30 =	sadd.s32 $0x14280, s30;
	[sflag:s29] =	ssyncadd.s32 $0xFFFFC000  }
0x66: {  	[tilespmem:s30], [sflag:s5] =	stream.linear.gather [hbm4b:s2+s12], $0x4000, $0x38;
	[tilespmem:$0x1F680] =	vst v63  }
0x67: {  	_ =	swait.ge [sflag:s17], $0x4000  }
0x68: {  	s29 =	simm.s32 $0x1C300;
	s30 =	sshll.u32 s31, $0xE;
	[sflag:s17] =	ssyncset.done $0x0  }
0x69: {  	s31 =	sadd.s32 $0x3, s31;
	s30 =	sadd.s32 $0x14280, s30;
	[sflag:s17] =	ssyncadd.s32 $0xFFFFC000  }
0x6a: {  	[spmem:s14] =	stream.indirect.scatter.add.f32 [tilespmem:s30], [sflag:s31], $0x80, s29, s8, $0xb8;
	[tilespmem:$0x1F680] =	vst v63  }
0x6b: {  	s5 =	simm.s32 $0x3;
	s30 =	simm.s32 $0x1C380;
	s31 =	smov.u32 s2  }
.LBB2_2:
0x6c: {  	s6 =	sand.u32 $0x1, s5  }
0x6d: {  	s31 =	sadd.s32 $0x800, s31;
	s11 =	smov.u32 s5;
	s13 =	sadd.s32 $0x1, s5  }
0x6e: {  	[spmem:s16] =	stream.indirect.scatter.add.f32 [tilespmem:s1], [sflag:$0x5], $0x1, s29, s8, $0xb8;
	[tilespmem:$0x1F680] =	vst v63  }
0x6f: {  	p0 =	sne.s32 s5, $0x4D;
	s17 =	sadd.s32 $0x3, s6;
	s3 =	sshll.u32 s6, $0xE  }
0x70: {  	s29 =	smov.u32 s30;
	_ =	swait.ge [sflag:s17], $0x4000  }
0x71: {  	s5 =	sadd.s32 $0xFFFFFFFF, s11;
	s3 =	sadd.s32 $0x14280, s3;
	[sflag:s17] =	ssyncset.done $0x0  }
0x72: {  	s6 =	sadd.s32 $0x1, s6;
	s5 =	sand.u32 $0x1, s5;
	[sflag:s17] =	ssyncadd.s32 $0xFFFFC000  }
0x73: {  	[tilespmem:s3], [sflag:s6] =	stream.linear.gather [hbm4b:s31+s12], $0x4000, $0x38;
	[tilespmem:$0x1F680] =	vst v63  }
0x74: {  	s3 =	sadd.s32 $0x1, s5;
	s6 =	sshll.u32 s5, $0xE  }
.Ltmp0:
0x75: {  	_ =	swait.ge [sflag:s3], $0x4000;
	(pc) =	sbr.rel @p0 .LBB2_2-.Ltmp0, $4  }
0x76: {  	s5 =	sadd.s32 $0x3, s5;
	s6 =	sadd.s32 $0x14280, s6;
	[sflag:s3] =	ssyncset.done $0x0  }
0x77: {  	s30 =	sadd.s32 $0x80, s30;
	[sflag:s3] =	ssyncadd.s32 $0xFFFFC000  }
0x78: {  	[spmem:s14] =	stream.indirect.scatter.add.f32 [tilespmem:s6], [sflag:s5], $0x80, s29, s8, $0xb8;
	[tilespmem:$0x1F680] =	vst v63  }
0x79: {  	s5 =	smov.u32 s13  }
0x7a: {  	[spmem:s16] =	stream.indirect.scatter.add.f32 [tilespmem:s1], [sflag:$0x5], $0x1, s29, s8, $0xb8;
	[tilespmem:$0x1F680] =	vst v63  }
0x7b: {  	_ =	swait.ge [sflag:s9], $0x4000  }
0x7c: {  	[sflag:s9] =	ssyncset.done $0x0  }
0x7d: {  	[sflag:s9] =	ssyncadd.s32 $0xFFFFC000  }
0x7e: {  	_ =	swait.ge [sflag:s10], $0x4000  }
0x7f: {  	[sflag:s10] =	ssyncset.done $0x0  }
0x80: {  	s11 =	simm.s32 $0x18280;
	s3 =	simm.s32 $0x1E900;
	[sflag:s10] =	ssyncadd.s32 $0xFFFFC000  }
0x81: {  	[spmem:s14] =	stream.indirect.scatter.add.f32 [tilespmem:s11], [sflag:$0x6], $0x80, s3, s8, $0xb8;
	[tilespmem:$0x1F680] =	vst v63  }
0x82: {  	_ =	swait.ge [sflag:s0], $0x4000  }
0x83: {  	[sflag:s0] =	ssyncset.done $0x0  }
0x84: {  	[sflag:s0] =	ssyncadd.s32 $0xFFFFC000  }
0x85: {  	[spmem:s16] =	stream.indirect.scatter.add.f32 [tilespmem:s1], [sflag:$0x5], $0x1, s3, s8, $0xb8;
	[tilespmem:$0x1F680] =	vst v63  }
0x86: {  	s5 =	simm.s32 $0x1EA80;
	s30 =	rddreg [dreg:$0x15]  }
0x87: {  	[tilespmem:s5], [sflag:$0x6] =	stream.linear.gather [hbm4b:s30+s12], $0x800, $0x38;
	[tilespmem:$0x1F680] =	vst v63  }
0x88: {  	_ =	swait.ge [sflag:s0], $0x800  }
0x89: {  	[sflag:s0] =	ssyncset.done $0x0  }
0x8a: {  	s31 =	simm.s32 $0x10;
	[sflag:s0] =	ssyncadd.s32 $0xFFFFF800  }
0x8b: {  	[spmem:s14] =	stream.indirect.scatter.add.f32 [tilespmem:s5], [sflag:$0x6], $0x80, s4, s31, $0xb8;
	[tilespmem:$0x1F680] =	vst v63  }
0x8c: {  	_ =	swait.ge [sflag:s0], $0x800  }
0x8d: {  	[sflag:s0] =	ssyncset.done $0x0  }
0x8e: {  	s6 =	simm.s32 $0x1F380;
	[sflag:s0] =	ssyncadd.s32 $0xFFFFF800  }
0x8f: {  	[spmem:s16] =	stream.indirect.scatter.add.f32 [tilespmem:s6], [sflag:$0x6], $0x1, s4, s31, $0xb8;
	[tilespmem:$0x1F680] =	vst v63  }
0x90: {  	_ =	swait.ge [sflag:s0], $0x10  }
0x91: {  	[sflag:s0] =	ssyncset.done $0x0  }
0x92: {  	[sflag:s0] =	ssyncadd.s32 $0xFFFFFFF0  }
0x93: {  	_ =	swait.ge [sflag:s19], $0x80  }
0x94: {  	s5 =	simm.s32 $0x4D;
	[sflag:s19] =	ssyncset.done $0x0  }
.LBB2_4:
0x95: {  	p0 =	sne.s32 s5, $0x1;
	s5 =	sadd.s32 $0xFFFFFFFF, s5;
	[sflag:s19] =	ssyncadd.s32 $0xFFFFFF80  }
.Ltmp1:
0x96: {  	(pc) =	sbr.rel @p0 .LBB2_4-.Ltmp1, $3  }
0x97: {  	_ =	sdelay $0x1  }
0x98: {  	_ =	swait.ge [sflag:s19], $0x80  }
0x99: {  	[sflag:s19] =	ssyncset.done $0x0  }
0x9a: {  	[sflag:s19] =	ssyncadd.s32 $0xFFFFFF80  }
0x9b: {  	[bflag:$0x0] =	sbarrier.arrive $0xFFFF  }
0x9c: {  	s3 =	rddreg [dreg:$0x7]  }
0x9d: {  	[hbm:s3], [sflag:s22] =	dma.local [spmem:s23], $0x800  }
0x9e: {  	_ =	swait.ge [sflag:s0], $0x800  }
0x9f: {  	[sflag:s0] =	ssyncset.done $0x0  }
0xa0: {  	s23 =	rddreg [dreg:$0xd];
	[sflag:s0] =	ssyncadd.s32 $0xFFFFF800  }
0xa1: {  	[hbm:s23], [sflag:s22] =	dma.local [spmem:s24], $0x800  }
0xa2: {  	_ =	swait.ge [sflag:s0], $0x800  }
0xa3: {  	[sflag:s0] =	ssyncset.done $0x0  }
0xa4: {  	s24 =	rddreg [dreg:$0xe];
	[sflag:s0] =	ssyncadd.s32 $0xFFFFF800  }
0xa5: {  	[hbm:s24], [sflag:s22] =	dma.local [spmem:s25], $0x800  }
0xa6: {  	_ =	swait.ge [sflag:s0], $0x800  }
0xa7: {  	[sflag:s0] =	ssyncset.done $0x0  }
0xa8: {  	s25 =	rddreg [dreg:$0xf];
	[sflag:s0] =	ssyncadd.s32 $0xFFFFF800  }
0xa9: {  	[hbm:s25], [sflag:s22] =	dma.local [spmem:s26], $0x800  }
0xaa: {  	_ =	swait.ge [sflag:s0], $0x800  }
0xab: {  	[sflag:s0] =	ssyncset.done $0x0  }
0xac: {  	s29 =	rddreg [dreg:$0x10];
	[sflag:s0] =	ssyncadd.s32 $0xFFFFF800  }
0xad: {  	[hbm:s29], [sflag:s22] =	dma.local [spmem:s28], $0x800  }
0xae: {  	_ =	swait.ge [sflag:s0], $0x800  }
0xaf: {  	[sflag:s0] =	ssyncset.done $0x0  }
0xb0: {  	[sflag:s0] =	ssyncadd.s32 $0xFFFFF800  }
0xb1: {  	[tilespmem:s15], [sflag:$0x6] =	stream.linear.gather [spmem:s20], $0x280, $0x38;
	[tilespmem:$0x1F680] =	vst v63  }
0xb2: {  	_ =	swait.ge [sflag:s0], $0x280  }
0xb3: {  	[sflag:s0] =	ssyncset.done $0x0  }
0xb4: {  	s30 =	rddreg [dreg:$0x16];
	[sflag:s0] =	ssyncadd.s32 $0xFFFFFD80  }
0xb5: {  	[hbm4b:s30+s12] =	stream.linear.scatter [tilespmem:s15], [sflag:$0x6], $0x280, $0x38;
	[tilespmem:$0x1F680] =	vst v63  }
0xb6: {  	_ =	swait.ge [sflag:s0], $0x280  }
0xb7: {  	s21 =	sadd.s32 $0x1, s21;
	s31 =	rddreg [dreg:$0x17]  }
0xb8: {  	p0 =	sne.s32 s21, s31  }
.Ltmp2:
0xb9: {  	_ = 	snop;
	(pc) =	sbr.rel @p0 .LBB2_1-.Ltmp2, $3  }
0xba: {  	_ =	sdelay $0x1  }
0xbb: {  	[sflag:s0] =	ssyncset.done $0x0  }
0xbc: {  	[sflag:s0] =	ssyncadd.s32 $0xFFFFFD80  }
0xbd: {  	_ =	sfence.sel $0x180000  }
0xbe: {  	[bflag:$0x0] =	sbarrier.arrive $0xFFFF  }
0xbf: {  	_ =	strace $0x90000047  }
0xc0: {  	s0 =	stileid.u32;
	[bflag:$0x2] =	sbarrier.arrive $0xFFFF  }
0xc1: {  	p0 =	sne.s32 s0, $0x0;
	s0 =	rddreg [dreg:$0x5]  }
0xc2: {  	s0 =	sadd.s32 @!p0 $0x100000, s0  }
0xc3: {  	[sflag:s0] =	ssyncadd.tile.s32 @!p0 $0x1;
	_ =	shalt  }
.Lfunc_end2:
_tile_overlayer_lowered:
.L_overlay_start_2:
0xc4: {  	(tag) =	ssettag $0x2  }
0xc5: {  	s0 =	rddreg [dreg:$0x0];
	s2 =	stileid.u32  }
0xc6: {  	s1 =	rddreg [dreg:$0x1];
	p0 =	sne.s32 s2, $0x0  }
0xc7: {  	s3 =	rddreg [dreg:$0x2];
	[bflag:$0x3] =	sbarrier.arrive $0xFFFF;
	s2 =	simm.s32 @!p0 $0x1C06  }
0xc8: {  	[timem:s3], [sflag:s2] =	dma.local @!p0 [hbm:s0], s1  }
0xc9: {  	s0 =	simm.s32 @!p0 $0x6  }
0xca: {  	_ =	swait.ge @!p0 [sflag:s0], s1  }
0xcb: {  	s1 =	ssub.s32 @!p0 $0x0, s1;
	[sflag:s0] =	ssyncset.done @!p0 $0x0  }
0xcc: {  	[sflag:s0] =	ssyncadd.s32 @!p0 s1  }
0xcd: {  	[bflag:$0x3] =	sbarrier.arrive $0xFFFF  }
0xce: {  	_ =	shalt  }

</sc_bundles>
